<compile_context>
chip_gen: v7x
topology: tpu7x:2x2x1
jax: 0.10.2.dev20260603
libtpu: 0.0.44.dev20260713+nightly
codegen_flags: <defaults>
</compile_context>

<pallas_src>
import functools

import jax
import jax.numpy as jnp
from jax import lax
from jax.experimental import pallas as pl
from jax.experimental.pallas import tpu as pltpu
from jax.experimental.pallas import tpu_sc as plsc

_NC = 2
_NS = 16
_NW = _NC * _NS
_CH = 128
_G = 4


def _make_gather(V, D, N1, N2):
  n1 = N1 // _NW
  n2 = N2 // _NW
  assert n1 % _CH == 0 and n2 % _CH == 0

  mesh = plsc.VectorSubcoreMesh(core_axis_name="c", subcore_axis_name="s")

  NB = 8

  @functools.partial(
      pl.kernel,
      out_type=[
          jax.ShapeDtypeStruct((N1, D), jnp.float32),
          jax.ShapeDtypeStruct((N2, D), jnp.float32),
      ],
      mesh=mesh,
      compiler_params=pltpu.CompilerParams(use_tc_tiling_on_sc=False),
      scratch_types=(
          [pltpu.VMEM((n1,), jnp.int32), pltpu.VMEM((n2,), jnp.int32)]
          + [pltpu.VMEM((_CH, D), jnp.float32) for _ in range(NB)]
          + [pltpu.SemaphoreType.DMA for _ in range(NB)]
      ),
  )
  def gather(emb1, emb2, idx1, idx2, out1, out2, idx1_v, idx2_v, *bufs_sems):
    bufs = bufs_sems[:NB]
    sems = bufs_sems[NB:]
    wid = lax.axis_index("s") * _NC + lax.axis_index("c")
    b1 = wid * n1
    b2 = wid * n2
    pltpu.sync_copy(idx1.at[pl.ds(b1, n1)], idx1_v)
    pltpu.sync_copy(idx2.at[pl.ds(b2, n2)], idx2_v)

    def make_body(emb, idx_v, out, base):
      def body(i4, _):
        cps = []
        for b in range(NB):
          off = pl.multiple_of((i4 * NB + b) * _CH, _CH)
          cps.append(
              pltpu.async_copy(emb.at[idx_v.at[pl.ds(off, _CH)]],
                               bufs[b], sems[b]))
        for b in range(NB):
          off = pl.multiple_of((i4 * NB + b) * _CH, _CH)
          cps[b].wait()
          pltpu.sync_copy(bufs[b], out.at[pl.ds(base + off, _CH)])
        return 0

      return body

    lax.fori_loop(0, n1 // (_CH * NB), make_body(emb1, idx1_v, out1, b1), 0)
    lax.fori_loop(0, n2 // (_CH * NB), make_body(emb2, idx2_v, out2, b2), 0)

  return gather


def _score_body(C, K1, KP, D, GPB, eI_ref, eTV_ref, out_ref):
  RA = _G * C
  RX = _G * KP
  HA = RA // 2
  HX = RX // 2

  @pl.when(pl.program_id(0) == 0)
  def _init():
    out_ref[...] = jnp.zeros_like(out_ref)

  qr = lax.broadcasted_iota(jnp.int32, (RX, RA), 0)
  qc = lax.broadcasted_iota(jnp.int32, (RX, RA), 1)
  lr = jnp.where(qr < HX, 2 * qr, 2 * (qr - HX) + 1)
  lc = jnp.where(qc < HA, 2 * qc, 2 * (qc - HA) + 1)
  diag = (lr // KP) == (lc // C)
  kk = lr % KP
  exp_mask = diag & (kk >= 1) & (kk < K1)
  sc_mask = diag & (kk == 0)

  UNROLL = 4

  def group(g4, acc):
    tot = None
    for u in range(UNROLL):
      g = g4 * UNROLL + u
      a2 = eI_ref[pl.ds(g * HA, HA), :].astype(jnp.bfloat16)
      x2 = eTV_ref[pl.ds(g * HX, HX), :].astype(jnp.bfloat16)
      a = jnp.concatenate([a2[:, :D], a2[:, D:]], axis=0)
      x = jnp.concatenate([x2[:, :D], x2[:, D:]], axis=0)
      p = lax.dot_general(x, a, (((1,), (1,)), ((), ())),
                          preferred_element_type=jnp.float32)
      acc_s = jnp.sum(jnp.where(sc_mask, p, 0.0))
      e = jnp.where(exp_mask, jnp.exp(p), 0.0)
      colsum = jnp.sum(e, axis=0, keepdims=True)
      acc_n = jnp.sum(jnp.log(colsum))
      part = acc_n - acc_s
      tot = part if tot is None else tot + part
    return acc + tot

  p = lax.fori_loop(0, GPB // UNROLL, group, jnp.float32(0.0))
  out_ref[...] += jnp.reshape(p, (1, 1))


def kernel(inputs, targets, vocab_batches, emb1, emb2):
  B, C = inputs.shape
  K = vocab_batches.shape[1]
  V, D = emb1.shape
  K1 = K + 1
  KP = 52

  idx1 = inputs.astype(jnp.int32).reshape(-1)
  idx2 = jnp.pad(
      jnp.concatenate(
          [targets.astype(jnp.int32), vocab_batches.astype(jnp.int32)],
          axis=1), ((0, 0), (0, KP - K1))).reshape(-1)

  eI, eTV = _make_gather(V, D, B * C, B * KP)(emb1, emb2, idx1, idx2)
  eI2 = eI.reshape(B * C // 2, 2 * D)
  eTV2 = eTV.reshape(B * KP // 2, 2 * D)

  NG = B // _G
  GPB = 64

  partial = pl.pallas_call(
      functools.partial(_score_body, C, K1, KP, D, GPB),
      grid=(NG // GPB,),
      in_specs=[
          pl.BlockSpec((GPB * _G * C // 2, 2 * D), lambda i: (i, 0)),
          pl.BlockSpec((GPB * _G * KP // 2, 2 * D), lambda i: (i, 0)),
      ],
      out_specs=pl.BlockSpec((1, 1), lambda i: (0, 0)),
      out_shape=jax.ShapeDtypeStruct((1, 1), jnp.float32),
  )(eI2, eTV2)

  return partial[0, 0] / jnp.float32(B * C)

# --- scband reference (transcript-rebuilt; emitter-appended) ---
"""Pipeline reference for scband-cbow-36077725286509 (READ-ONLY COPY).

The authoritative reference and input builder live on the scoring server;
editing this copy changes nothing except your own understanding.
"""

import jax, jax.numpy as jnp
import numpy as np

VOCAB = 100000
DIM = 64
B = 16384
C = 20
K = 50

def setup_inputs(seed: int = 0) -> dict:
    key = jax.random.key(seed)
    k1, k2, k3, k4, k5 = jax.random.split(key, 5)
    inputs = jax.random.randint(k1, (B, C), 0, VOCAB, dtype=jnp.int64)
    targets = jax.random.randint(k2, (B, 1), 0, VOCAB, dtype=jnp.int64)
    vocab_batches = jax.random.randint(k3, (B, K), 0, VOCAB, dtype=jnp.int64)
    # learned parameters (scaled small so exp() of dot products stays stable)
    emb1 = jax.random.normal(k4, (VOCAB, DIM), dtype=jnp.float32) * 0.05
    emb2 = jax.random.normal(k5, (VOCAB, DIM), dtype=jnp.float32) * 0.05
    return {"inputs": inputs, "targets": targets, "vocab_batches": vocab_batches, "emb1": emb1, "emb2": emb2}

def reference(inputs, targets, vocab_batches, emb1, emb2):
    # embedding lookups (gather rows)
    embedded_input = jnp.take(emb1, inputs, axis=0)        # [B, C, D]
    embedded_target = jnp.take(emb2, targets, axis=0)      # [B, 1, D]
    embedded_vocab = jnp.take(emb2, vocab_batches, axis=0) # [B, K, D]
    ei_t = jnp.swapaxes(embedded_input, 1, 2)              # [B, D, C]
    scores = jnp.matmul(embedded_target, ei_t)             # [B, 1, C]
    norm_scores = jnp.matmul(embedded_vocab, ei_t)         # [B, K, C]
    # torch .squeeze(2) is a no-op here since C > 1
    softmax = jnp.exp(scores) / jnp.sum(jnp.exp(norm_scores), axis=1, keepdims=True)  # [B,1,C] broadcast
    loss = -jnp.mean(jnp.log(softmax))
    return loss

if __name__ == "__main__":
    import jax
    _d = setup_inputs()
    print(jax.jit(kernel)(*tuple(_d.values())))

</pallas_src>

<mosaic_0001>
#map = affine_map<(d0, d1) -> (0, 0)>
#map1 = affine_map<(d0, d1) -> (0)>
module attributes {stable_mosaic.version = 14 : i64} {
  func.func @gather(%arg0: i32, %arg1: i32, %arg2: memref<100000x64xf32, #tpu.memory_space<hbm>>, %arg3: memref<100000x64xf32, #tpu.memory_space<hbm>>, %arg4: memref<327680xi32, #tpu.memory_space<hbm>>, %arg5: memref<851968xi32, #tpu.memory_space<hbm>>, %arg6: memref<327680x64xf32, #tpu.memory_space<hbm>>, %arg7: memref<851968x64xf32, #tpu.memory_space<hbm>>, %arg8: memref<10240xi32, #tpu.memory_space<vmem>>, %arg9: memref<26624xi32, #tpu.memory_space<vmem>>, %arg10: memref<128x64xf32, #tpu.memory_space<vmem>>, %arg11: memref<128x64xf32, #tpu.memory_space<vmem>>, %arg12: memref<128x64xf32, #tpu.memory_space<vmem>>, %arg13: memref<128x64xf32, #tpu.memory_space<vmem>>, %arg14: memref<128x64xf32, #tpu.memory_space<vmem>>, %arg15: memref<128x64xf32, #tpu.memory_space<vmem>>, %arg16: memref<128x64xf32, #tpu.memory_space<vmem>>, %arg17: memref<128x64xf32, #tpu.memory_space<vmem>>, %arg18: memref<!tpu.dma_semaphore, #tpu.memory_space<semaphore_mem>>, %arg19: memref<!tpu.dma_semaphore, #tpu.memory_space<semaphore_mem>>, %arg20: memref<!tpu.dma_semaphore, #tpu.memory_space<semaphore_mem>>, %arg21: memref<!tpu.dma_semaphore, #tpu.memory_space<semaphore_mem>>, %arg22: memref<!tpu.dma_semaphore, #tpu.memory_space<semaphore_mem>>, %arg23: memref<!tpu.dma_semaphore, #tpu.memory_space<semaphore_mem>>, %arg24: memref<!tpu.dma_semaphore, #tpu.memory_space<semaphore_mem>>, %arg25: memref<!tpu.dma_semaphore, #tpu.memory_space<semaphore_mem>>) attributes {dimension_semantics = [#tpu.dimension_semantics<core_parallel>, #tpu.dimension_semantics<subcore_parallel>], iteration_bounds = array<i64: 2, 16>, scalar_prefetch = 0 : i64, scratch_operands = 18 : i64, tpu.core_type = #tpu.core_type<sc_vector_subcore>, window_params = [{transform_indices = #map}, {transform_indices = #map}, {transform_indices = #map1}, {transform_indices = #map1}, {transform_indices = #map}, {transform_indices = #map}]} {
    %mul3A = arith.constant 2 : i32
    %mul3A_0 = arith.muli %arg1, %mul3A : i32
    %add3A = arith.addi %mul3A_0, %arg0 : i32
    %mul3A_1 = arith.constant 10240 : i32
    %mul3A_2 = arith.muli %add3A, %mul3A_1 : i32
    %mul3A_3 = arith.constant 26624 : i32
    %mul3A_4 = arith.muli %add3A, %mul3A_3 : i32
    "tpu.region"() ({
      %run_scoped3A = tpu.sem_alloc : memref<!tpu.dma_semaphore, #tpu.memory_space<semaphore_mem>>
      %dma_start3A = tpu.memref_slice %arg4[%mul3A_2] : memref<327680xi32, #tpu.memory_space<hbm>> -> memref<10240xi32, #tpu.memory_space<hbm>>
      %dma_start3A_18 = tpu.memref_slice %arg4[%mul3A_2] : memref<327680xi32, #tpu.memory_space<hbm>> -> memref<10240xi32, #tpu.memory_space<hbm>>
      tpu.enqueue_dma source(%dma_start3A_18 : memref<10240xi32, #tpu.memory_space<hbm>>) target(%arg8 : memref<10240xi32, #tpu.memory_space<vmem>>) target_semaphore(%run_scoped3A : memref<!tpu.dma_semaphore, #tpu.memory_space<semaphore_mem>>)
      %dma_wait3A = tpu.memref_slice %arg4[%mul3A_2] : memref<327680xi32, #tpu.memory_space<hbm>> -> memref<10240xi32, #tpu.memory_space<hbm>>
      %dma_wait3A_19 = tpu.memref_slice %arg4[%mul3A_2] : memref<327680xi32, #tpu.memory_space<hbm>> -> memref<10240xi32, #tpu.memory_space<hbm>>
      tpu.wait_dma2 semaphore(%run_scoped3A : memref<!tpu.dma_semaphore, #tpu.memory_space<semaphore_mem>>) src(%dma_wait3A_19 : memref<10240xi32, #tpu.memory_space<hbm>>) dst(%arg8 : memref<10240xi32, #tpu.memory_space<vmem>>)
      tpu.yield
    }) : () -> ()
    "tpu.region"() ({
      %run_scoped3A = tpu.sem_alloc : memref<!tpu.dma_semaphore, #tpu.memory_space<semaphore_mem>>
      %dma_start3A = tpu.memref_slice %arg5[%mul3A_4] : memref<851968xi32, #tpu.memory_space<hbm>> -> memref<26624xi32, #tpu.memory_space<hbm>>
      %dma_start3A_18 = tpu.memref_slice %arg5[%mul3A_4] : memref<851968xi32, #tpu.memory_space<hbm>> -> memref<26624xi32, #tpu.memory_space<hbm>>
      tpu.enqueue_dma source(%dma_start3A_18 : memref<26624xi32, #tpu.memory_space<hbm>>) target(%arg9 : memref<26624xi32, #tpu.memory_space<vmem>>) target_semaphore(%run_scoped3A : memref<!tpu.dma_semaphore, #tpu.memory_space<semaphore_mem>>)
      %dma_wait3A = tpu.memref_slice %arg5[%mul3A_4] : memref<851968xi32, #tpu.memory_space<hbm>> -> memref<26624xi32, #tpu.memory_space<hbm>>
      %dma_wait3A_19 = tpu.memref_slice %arg5[%mul3A_4] : memref<851968xi32, #tpu.memory_space<hbm>> -> memref<26624xi32, #tpu.memory_space<hbm>>
      tpu.wait_dma2 semaphore(%run_scoped3A : memref<!tpu.dma_semaphore, #tpu.memory_space<semaphore_mem>>) src(%dma_wait3A_19 : memref<26624xi32, #tpu.memory_space<hbm>>) dst(%arg9 : memref<26624xi32, #tpu.memory_space<vmem>>)
      tpu.yield
    }) : () -> ()
    %scan3A = arith.constant 0 : i32
    %scan3A_5 = arith.constant 0 : i32
    %scan3A_6 = arith.constant 10 : i32
    %scan3A_7 = arith.addi %scan3A_5, %scan3A_6 : i32
    %scan3A_8 = arith.constant 1 : i32
    %scan3A_9 = scf.for %scan3A_18 = %scan3A_5 to %scan3A_7 step %scan3A_8 iter_args(%scan3A_19 = %scan3A) -> (i32)  : i32 {
      %mul3A_20 = arith.constant 8 : i32
      %mul3A_21 = arith.muli %scan3A_18, %mul3A_20 : i32
      %add3A_22 = arith.constant 0 : i32
      %add3A_23 = arith.addi %mul3A_21, %add3A_22 : i32
      %mul3A_24 = arith.constant 128 : i32
      %mul3A_25 = arith.muli %add3A_23, %mul3A_24 : i32
      %multiple_of3A = tpu.assume_multiple %mul3A_25, 128 : i32
      %dma_start3A = tpu.memref_slice %arg8[%multiple_of3A] : memref<10240xi32, #tpu.memory_space<vmem>> -> memref<128xi32, #tpu.memory_space<vmem>>
      %dma_start3A_26 = arith.constant 0 : i32
      %dma_start3A_27 = arith.constant 0 : i32
      %dma_start3A_28 = tpu.memref_slice %arg2[%dma_start3A_26, %dma_start3A_27] : memref<100000x64xf32, #tpu.memory_space<hbm>> -> memref<100000x64xf32, #tpu.memory_space<hbm>>
      tpu.enqueue_indirect_dma source(%dma_start3A_28 : memref<100000x64xf32, #tpu.memory_space<hbm>>) target(%arg10 : memref<128x64xf32, #tpu.memory_space<vmem>>) offsets(%dma_start3A : memref<128xi32, #tpu.memory_space<vmem>>) semaphore(%arg18 : memref<!tpu.dma_semaphore, #tpu.memory_space<semaphore_mem>>)
      %mul3A_29 = arith.constant 8 : i32
      %mul3A_30 = arith.muli %scan3A_18, %mul3A_29 : i32
      %add3A_31 = arith.constant 1 : i32
      %add3A_32 = arith.addi %mul3A_30, %add3A_31 : i32
      %mul3A_33 = arith.constant 128 : i32
      %mul3A_34 = arith.muli %add3A_32, %mul3A_33 : i32
      %multiple_of3A_35 = tpu.assume_multiple %mul3A_34, 128 : i32
      %dma_start3A_36 = tpu.memref_slice %arg8[%multiple_of3A_35] : memref<10240xi32, #tpu.memory_space<vmem>> -> memref<128xi32, #tpu.memory_space<vmem>>
      %dma_start3A_37 = arith.constant 0 : i32
      %dma_start3A_38 = arith.constant 0 : i32
      %dma_start3A_39 = tpu.memref_slice %arg2[%dma_start3A_37, %dma_start3A_38] : memref<100000x64xf32, #tpu.memory_space<hbm>> -> memref<100000x64xf32, #tpu.memory_space<hbm>>
      tpu.enqueue_indirect_dma source(%dma_start3A_39 : memref<100000x64xf32, #tpu.memory_space<hbm>>) target(%arg11 : memref<128x64xf32, #tpu.memory_space<vmem>>) offsets(%dma_start3A_36 : memref<128xi32, #tpu.memory_space<vmem>>) semaphore(%arg19 : memref<!tpu.dma_semaphore, #tpu.memory_space<semaphore_mem>>)
      %mul3A_40 = arith.constant 8 : i32
      %mul3A_41 = arith.muli %scan3A_18, %mul3A_40 : i32
      %add3A_42 = arith.constant 2 : i32
      %add3A_43 = arith.addi %mul3A_41, %add3A_42 : i32
      %mul3A_44 = arith.constant 128 : i32
      %mul3A_45 = arith.muli %add3A_43, %mul3A_44 : i32
      %multiple_of3A_46 = tpu.assume_multiple %mul3A_45, 128 : i32
      %dma_start3A_47 = tpu.memref_slice %arg8[%multiple_of3A_46] : memref<10240xi32, #tpu.memory_space<vmem>> -> memref<128xi32, #tpu.memory_space<vmem>>
      %dma_start3A_48 = arith.constant 0 : i32
      %dma_start3A_49 = arith.constant 0 : i32
      %dma_start3A_50 = tpu.memref_slice %arg2[%dma_start3A_48, %dma_start3A_49] : memref<100000x64xf32, #tpu.memory_space<hbm>> -> memref<100000x64xf32, #tpu.memory_space<hbm>>
      tpu.enqueue_indirect_dma source(%dma_start3A_50 : memref<100000x64xf32, #tpu.memory_space<hbm>>) target(%arg12 : memref<128x64xf32, #tpu.memory_space<vmem>>) offsets(%dma_start3A_47 : memref<128xi32, #tpu.memory_space<vmem>>) semaphore(%arg20 : memref<!tpu.dma_semaphore, #tpu.memory_space<semaphore_mem>>)
      %mul3A_51 = arith.constant 8 : i32
      %mul3A_52 = arith.muli %scan3A_18, %mul3A_51 : i32
      %add3A_53 = arith.constant 3 : i32
      %add3A_54 = arith.addi %mul3A_52, %add3A_53 : i32
      %mul3A_55 = arith.constant 128 : i32
      %mul3A_56 = arith.muli %add3A_54, %mul3A_55 : i32
      %multiple_of3A_57 = tpu.assume_multiple %mul3A_56, 128 : i32
      %dma_start3A_58 = tpu.memref_slice %arg8[%multiple_of3A_57] : memref<10240xi32, #tpu.memory_space<vmem>> -> memref<128xi32, #tpu.memory_space<vmem>>
      %dma_start3A_59 = arith.constant 0 : i32
      %dma_start3A_60 = arith.constant 0 : i32
      %dma_start3A_61 = tpu.memref_slice %arg2[%dma_start3A_59, %dma_start3A_60] : memref<100000x64xf32, #tpu.memory_space<hbm>> -> memref<100000x64xf32, #tpu.memory_space<hbm>>
      tpu.enqueue_indirect_dma source(%dma_start3A_61 : memref<100000x64xf32, #tpu.memory_space<hbm>>) target(%arg13 : memref<128x64xf32, #tpu.memory_space<vmem>>) offsets(%dma_start3A_58 : memref<128xi32, #tpu.memory_space<vmem>>) semaphore(%arg21 : memref<!tpu.dma_semaphore, #tpu.memory_space<semaphore_mem>>)
      %mul3A_62 = arith.constant 8 : i32
      %mul3A_63 = arith.muli %scan3A_18, %mul3A_62 : i32
      %add3A_64 = arith.constant 4 : i32
      %add3A_65 = arith.addi %mul3A_63, %add3A_64 : i32
      %mul3A_66 = arith.constant 128 : i32
      %mul3A_67 = arith.muli %add3A_65, %mul3A_66 : i32
      %multiple_of3A_68 = tpu.assume_multiple %mul3A_67, 128 : i32
      %dma_start3A_69 = tpu.memref_slice %arg8[%multiple_of3A_68] : memref<10240xi32, #tpu.memory_space<vmem>> -> memref<128xi32, #tpu.memory_space<vmem>>
      %dma_start3A_70 = arith.constant 0 : i32
      %dma_start3A_71 = arith.constant 0 : i32
      %dma_start3A_72 = tpu.memref_slice %arg2[%dma_start3A_70, %dma_start3A_71] : memref<100000x64xf32, #tpu.memory_space<hbm>> -> memref<100000x64xf32, #tpu.memory_space<hbm>>
      tpu.enqueue_indirect_dma source(%dma_start3A_72 : memref<100000x64xf32, #tpu.memory_space<hbm>>) target(%arg14 : memref<128x64xf32, #tpu.memory_space<vmem>>) offsets(%dma_start3A_69 : memref<128xi32, #tpu.memory_space<vmem>>) semaphore(%arg22 : memref<!tpu.dma_semaphore, #tpu.memory_space<semaphore_mem>>)
      %mul3A_73 = arith.constant 8 : i32
      %mul3A_74 = arith.muli %scan3A_18, %mul3A_73 : i32
      %add3A_75 = arith.constant 5 : i32
      %add3A_76 = arith.addi %mul3A_74, %add3A_75 : i32
      %mul3A_77 = arith.constant 128 : i32
      %mul3A_78 = arith.muli %add3A_76, %mul3A_77 : i32
      %multiple_of3A_79 = tpu.assume_multiple %mul3A_78, 128 : i32
      %dma_start3A_80 = tpu.memref_slice %arg8[%multiple_of3A_79] : memref<10240xi32, #tpu.memory_space<vmem>> -> memref<128xi32, #tpu.memory_space<vmem>>
      %dma_start3A_81 = arith.constant 0 : i32
      %dma_start3A_82 = arith.constant 0 : i32
      %dma_start3A_83 = tpu.memref_slice %arg2[%dma_start3A_81, %dma_start3A_82] : memref<100000x64xf32, #tpu.memory_space<hbm>> -> memref<100000x64xf32, #tpu.memory_space<hbm>>
      tpu.enqueue_indirect_dma source(%dma_start3A_83 : memref<100000x64xf32, #tpu.memory_space<hbm>>) target(%arg15 : memref<128x64xf32, #tpu.memory_space<vmem>>) offsets(%dma_start3A_80 : memref<128xi32, #tpu.memory_space<vmem>>) semaphore(%arg23 : memref<!tpu.dma_semaphore, #tpu.memory_space<semaphore_mem>>)
      %mul3A_84 = arith.constant 8 : i32
      %mul3A_85 = arith.muli %scan3A_18, %mul3A_84 : i32
      %add3A_86 = arith.constant 6 : i32
      %add3A_87 = arith.addi %mul3A_85, %add3A_86 : i32
      %mul3A_88 = arith.constant 128 : i32
      %mul3A_89 = arith.muli %add3A_87, %mul3A_88 : i32
      %multiple_of3A_90 = tpu.assume_multiple %mul3A_89, 128 : i32
      %dma_start3A_91 = tpu.memref_slice %arg8[%multiple_of3A_90] : memref<10240xi32, #tpu.memory_space<vmem>> -> memref<128xi32, #tpu.memory_space<vmem>>
      %dma_start3A_92 = arith.constant 0 : i32
      %dma_start3A_93 = arith.constant 0 : i32
      %dma_start3A_94 = tpu.memref_slice %arg2[%dma_start3A_92, %dma_start3A_93] : memref<100000x64xf32, #tpu.memory_space<hbm>> -> memref<100000x64xf32, #tpu.memory_space<hbm>>
      tpu.enqueue_indirect_dma source(%dma_start3A_94 : memref<100000x64xf32, #tpu.memory_space<hbm>>) target(%arg16 : memref<128x64xf32, #tpu.memory_space<vmem>>) offsets(%dma_start3A_91 : memref<128xi32, #tpu.memory_space<vmem>>) semaphore(%arg24 : memref<!tpu.dma_semaphore, #tpu.memory_space<semaphore_mem>>)
      %mul3A_95 = arith.constant 8 : i32
      %mul3A_96 = arith.muli %scan3A_18, %mul3A_95 : i32
      %add3A_97 = arith.constant 7 : i32
      %add3A_98 = arith.addi %mul3A_96, %add3A_97 : i32
      %mul3A_99 = arith.constant 128 : i32
      %mul3A_100 = arith.muli %add3A_98, %mul3A_99 : i32
      %multiple_of3A_101 = tpu.assume_multiple %mul3A_100, 128 : i32
      %dma_start3A_102 = tpu.memref_slice %arg8[%multiple_of3A_101] : memref<10240xi32, #tpu.memory_space<vmem>> -> memref<128xi32, #tpu.memory_space<vmem>>
      %dma_start3A_103 = arith.constant 0 : i32
      %dma_start3A_104 = arith.constant 0 : i32
      %dma_start3A_105 = tpu.memref_slice %arg2[%dma_start3A_103, %dma_start3A_104] : memref<100000x64xf32, #tpu.memory_space<hbm>> -> memref<100000x64xf32, #tpu.memory_space<hbm>>
      tpu.enqueue_indirect_dma source(%dma_start3A_105 : memref<100000x64xf32, #tpu.memory_space<hbm>>) target(%arg17 : memref<128x64xf32, #tpu.memory_space<vmem>>) offsets(%dma_start3A_102 : memref<128xi32, #tpu.memory_space<vmem>>) semaphore(%arg25 : memref<!tpu.dma_semaphore, #tpu.memory_space<semaphore_mem>>)
      %mul3A_106 = arith.constant 8 : i32
      %mul3A_107 = arith.muli %scan3A_18, %mul3A_106 : i32
      %add3A_108 = arith.constant 0 : i32
      %add3A_109 = arith.addi %mul3A_107, %add3A_108 : i32
      %mul3A_110 = arith.constant 128 : i32
      %mul3A_111 = arith.muli %add3A_109, %mul3A_110 : i32
      %multiple_of3A_112 = tpu.assume_multiple %mul3A_111, 128 : i32
      %dma_wait3A = tpu.memref_slice %arg8[%multiple_of3A] : memref<10240xi32, #tpu.memory_space<vmem>> -> memref<128xi32, #tpu.memory_space<vmem>>
      %dma_wait3A_113 = arith.constant 0 : i32
      %dma_wait3A_114 = arith.constant 0 : i32
      %dma_wait3A_115 = tpu.memref_slice %arg2[%dma_wait3A_113, %dma_wait3A_114] : memref<100000x64xf32, #tpu.memory_space<hbm>> -> memref<100000x64xf32, #tpu.memory_space<hbm>>
      tpu.wait_indirect_dma semaphore(%arg18 : memref<!tpu.dma_semaphore, #tpu.memory_space<semaphore_mem>>) src(%dma_wait3A_115 : memref<100000x64xf32, #tpu.memory_space<hbm>>) dst(%arg10 : memref<128x64xf32, #tpu.memory_space<vmem>>)
      %add3A_116 = arith.addi %mul3A_2, %multiple_of3A_112 : i32
      "tpu.region"() ({
        %run_scoped3A = tpu.sem_alloc : memref<!tpu.dma_semaphore, #tpu.memory_space<semaphore_mem>>
        %dma_start3A_202 = arith.constant 0 : i32
        %dma_start3A_203 = tpu.memref_slice %arg6[%add3A_116, %dma_start3A_202] : memref<327680x64xf32, #tpu.memory_space<hbm>> -> memref<128x64xf32, #tpu.memory_space<hbm>>
        %dma_start3A_204 = arith.constant 0 : i32
        %dma_start3A_205 = tpu.memref_slice %arg6[%add3A_116, %dma_start3A_204] : memref<327680x64xf32, #tpu.memory_space<hbm>> -> memref<128x64xf32, #tpu.memory_space<hbm>>
        tpu.enqueue_dma source(%arg10 : memref<128x64xf32, #tpu.memory_space<vmem>>) target(%dma_start3A_205 : memref<128x64xf32, #tpu.memory_space<hbm>>) target_semaphore(%run_scoped3A : memref<!tpu.dma_semaphore, #tpu.memory_space<semaphore_mem>>)
        %dma_wait3A_206 = arith.constant 0 : i32
        %dma_wait3A_207 = tpu.memref_slice %arg6[%add3A_116, %dma_wait3A_206] : memref<327680x64xf32, #tpu.memory_space<hbm>> -> memref<128x64xf32, #tpu.memory_space<hbm>>
        %dma_wait3A_208 = arith.constant 0 : i32
        %dma_wait3A_209 = tpu.memref_slice %arg6[%add3A_116, %dma_wait3A_208] : memref<327680x64xf32, #tpu.memory_space<hbm>> -> memref<128x64xf32, #tpu.memory_space<hbm>>
        tpu.wait_dma2 semaphore(%run_scoped3A : memref<!tpu.dma_semaphore, #tpu.memory_space<semaphore_mem>>) src(%arg10 : memref<128x64xf32, #tpu.memory_space<vmem>>) dst(%dma_wait3A_209 : memref<128x64xf32, #tpu.memory_space<hbm>>)
        tpu.yield
      }) : () -> ()
      %mul3A_117 = arith.constant 8 : i32
      %mul3A_118 = arith.muli %scan3A_18, %mul3A_117 : i32
      %add3A_119 = arith.constant 1 : i32
      %add3A_120 = arith.addi %mul3A_118, %add3A_119 : i32
      %mul3A_121 = arith.constant 128 : i32
      %mul3A_122 = arith.muli %add3A_120, %mul3A_121 : i32
      %multiple_of3A_123 = tpu.assume_multiple %mul3A_122, 128 : i32
      %dma_wait3A_124 = tpu.memref_slice %arg8[%multiple_of3A_35] : memref<10240xi32, #tpu.memory_space<vmem>> -> memref<128xi32, #tpu.memory_space<vmem>>
      %dma_wait3A_125 = arith.constant 0 : i32
      %dma_wait3A_126 = arith.constant 0 : i32
      %dma_wait3A_127 = tpu.memref_slice %arg2[%dma_wait3A_125, %dma_wait3A_126] : memref<100000x64xf32, #tpu.memory_space<hbm>> -> memref<100000x64xf32, #tpu.memory_space<hbm>>
      tpu.wait_indirect_dma semaphore(%arg19 : memref<!tpu.dma_semaphore, #tpu.memory_space<semaphore_mem>>) src(%dma_wait3A_127 : memref<100000x64xf32, #tpu.memory_space<hbm>>) dst(%arg11 : memref<128x64xf32, #tpu.memory_space<vmem>>)
      %add3A_128 = arith.addi %mul3A_2, %multiple_of3A_123 : i32
      "tpu.region"() ({
        %run_scoped3A = tpu.sem_alloc : memref<!tpu.dma_semaphore, #tpu.memory_space<semaphore_mem>>
        %dma_start3A_202 = arith.constant 0 : i32
        %dma_start3A_203 = tpu.memref_slice %arg6[%add3A_128, %dma_start3A_202] : memref<327680x64xf32, #tpu.memory_space<hbm>> -> memref<128x64xf32, #tpu.memory_space<hbm>>
        %dma_start3A_204 = arith.constant 0 : i32
        %dma_start3A_205 = tpu.memref_slice %arg6[%add3A_128, %dma_start3A_204] : memref<327680x64xf32, #tpu.memory_space<hbm>> -> memref<128x64xf32, #tpu.memory_space<hbm>>
        tpu.enqueue_dma source(%arg11 : memref<128x64xf32, #tpu.memory_space<vmem>>) target(%dma_start3A_205 : memref<128x64xf32, #tpu.memory_space<hbm>>) target_semaphore(%run_scoped3A : memref<!tpu.dma_semaphore, #tpu.memory_space<semaphore_mem>>)
        %dma_wait3A_206 = arith.constant 0 : i32
        %dma_wait3A_207 = tpu.memref_slice %arg6[%add3A_128, %dma_wait3A_206] : memref<327680x64xf32, #tpu.memory_space<hbm>> -> memref<128x64xf32, #tpu.memory_space<hbm>>
        %dma_wait3A_208 = arith.constant 0 : i32
        %dma_wait3A_209 = tpu.memref_slice %arg6[%add3A_128, %dma_wait3A_208] : memref<327680x64xf32, #tpu.memory_space<hbm>> -> memref<128x64xf32, #tpu.memory_space<hbm>>
        tpu.wait_dma2 semaphore(%run_scoped3A : memref<!tpu.dma_semaphore, #tpu.memory_space<semaphore_mem>>) src(%arg11 : memref<128x64xf32, #tpu.memory_space<vmem>>) dst(%dma_wait3A_209 : memref<128x64xf32, #tpu.memory_space<hbm>>)
        tpu.yield
      }) : () -> ()
      %mul3A_129 = arith.constant 8 : i32
      %mul3A_130 = arith.muli %scan3A_18, %mul3A_129 : i32
      %add3A_131 = arith.constant 2 : i32
      %add3A_132 = arith.addi %mul3A_130, %add3A_131 : i32
      %mul3A_133 = arith.constant 128 : i32
      %mul3A_134 = arith.muli %add3A_132, %mul3A_133 : i32
      %multiple_of3A_135 = tpu.assume_multiple %mul3A_134, 128 : i32
      %dma_wait3A_136 = tpu.memref_slice %arg8[%multiple_of3A_46] : memref<10240xi32, #tpu.memory_space<vmem>> -> memref<128xi32, #tpu.memory_space<vmem>>
      %dma_wait3A_137 = arith.constant 0 : i32
      %dma_wait3A_138 = arith.constant 0 : i32
      %dma_wait3A_139 = tpu.memref_slice %arg2[%dma_wait3A_137, %dma_wait3A_138] : memref<100000x64xf32, #tpu.memory_space<hbm>> -> memref<100000x64xf32, #tpu.memory_space<hbm>>
      tpu.wait_indirect_dma semaphore(%arg20 : memref<!tpu.dma_semaphore, #tpu.memory_space<semaphore_mem>>) src(%dma_wait3A_139 : memref<100000x64xf32, #tpu.memory_space<hbm>>) dst(%arg12 : memref<128x64xf32, #tpu.memory_space<vmem>>)
      %add3A_140 = arith.addi %mul3A_2, %multiple_of3A_135 : i32
      "tpu.region"() ({
        %run_scoped3A = tpu.sem_alloc : memref<!tpu.dma_semaphore, #tpu.memory_space<semaphore_mem>>
        %dma_start3A_202 = arith.constant 0 : i32
        %dma_start3A_203 = tpu.memref_slice %arg6[%add3A_140, %dma_start3A_202] : memref<327680x64xf32, #tpu.memory_space<hbm>> -> memref<128x64xf32, #tpu.memory_space<hbm>>
        %dma_start3A_204 = arith.constant 0 : i32
        %dma_start3A_205 = tpu.memref_slice %arg6[%add3A_140, %dma_start3A_204] : memref<327680x64xf32, #tpu.memory_space<hbm>> -> memref<128x64xf32, #tpu.memory_space<hbm>>
        tpu.enqueue_dma source(%arg12 : memref<128x64xf32, #tpu.memory_space<vmem>>) target(%dma_start3A_205 : memref<128x64xf32, #tpu.memory_space<hbm>>) target_semaphore(%run_scoped3A : memref<!tpu.dma_semaphore, #tpu.memory_space<semaphore_mem>>)
        %dma_wait3A_206 = arith.constant 0 : i32
        %dma_wait3A_207 = tpu.memref_slice %arg6[%add3A_140, %dma_wait3A_206] : memref<327680x64xf32, #tpu.memory_space<hbm>> -> memref<128x64xf32, #tpu.memory_space<hbm>>
        %dma_wait3A_208 = arith.constant 0 : i32
        %dma_wait3A_209 = tpu.memref_slice %arg6[%add3A_140, %dma_wait3A_208] : memref<327680x64xf32, #tpu.memory_space<hbm>> -> memref<128x64xf32, #tpu.memory_space<hbm>>
        tpu.wait_dma2 semaphore(%run_scoped3A : memref<!tpu.dma_semaphore, #tpu.memory_space<semaphore_mem>>) src(%arg12 : memref<128x64xf32, #tpu.memory_space<vmem>>) dst(%dma_wait3A_209 : memref<128x64xf32, #tpu.memory_space<hbm>>)
        tpu.yield
      }) : () -> ()
      %mul3A_141 = arith.constant 8 : i32
      %mul3A_142 = arith.muli %scan3A_18, %mul3A_141 : i32
      %add3A_143 = arith.constant 3 : i32
      %add3A_144 = arith.addi %mul3A_142, %add3A_143 : i32
      %mul3A_145 = arith.constant 128 : i32
      %mul3A_146 = arith.muli %add3A_144, %mul3A_145 : i32
      %multiple_of3A_147 = tpu.assume_multiple %mul3A_146, 128 : i32
      %dma_wait3A_148 = tpu.memref_slice %arg8[%multiple_of3A_57] : memref<10240xi32, #tpu.memory_space<vmem>> -> memref<128xi32, #tpu.memory_space<vmem>>
      %dma_wait3A_149 = arith.constant 0 : i32
      %dma_wait3A_150 = arith.constant 0 : i32
      %dma_wait3A_151 = tpu.memref_slice %arg2[%dma_wait3A_149, %dma_wait3A_150] : memref<100000x64xf32, #tpu.memory_space<hbm>> -> memref<100000x64xf32, #tpu.memory_space<hbm>>
      tpu.wait_indirect_dma semaphore(%arg21 : memref<!tpu.dma_semaphore, #tpu.memory_space<semaphore_mem>>) src(%dma_wait3A_151 : memref<100000x64xf32, #tpu.memory_space<hbm>>) dst(%arg13 : memref<128x64xf32, #tpu.memory_space<vmem>>)
      %add3A_152 = arith.addi %mul3A_2, %multiple_of3A_147 : i32
      "tpu.region"() ({
        %run_scoped3A = tpu.sem_alloc : memref<!tpu.dma_semaphore, #tpu.memory_space<semaphore_mem>>
        %dma_start3A_202 = arith.constant 0 : i32
        %dma_start3A_203 = tpu.memref_slice %arg6[%add3A_152, %dma_start3A_202] : memref<327680x64xf32, #tpu.memory_space<hbm>> -> memref<128x64xf32, #tpu.memory_space<hbm>>
        %dma_start3A_204 = arith.constant 0 : i32
        %dma_start3A_205 = tpu.memref_slice %arg6[%add3A_152, %dma_start3A_204] : memref<327680x64xf32, #tpu.memory_space<hbm>> -> memref<128x64xf32, #tpu.memory_space<hbm>>
        tpu.enqueue_dma source(%arg13 : memref<128x64xf32, #tpu.memory_space<vmem>>) target(%dma_start3A_205 : memref<128x64xf32, #tpu.memory_space<hbm>>) target_semaphore(%run_scoped3A : memref<!tpu.dma_semaphore, #tpu.memory_space<semaphore_mem>>)
        %dma_wait3A_206 = arith.constant 0 : i32
        %dma_wait3A_207 = tpu.memref_slice %arg6[%add3A_152, %dma_wait3A_206] : memref<327680x64xf32, #tpu.memory_space<hbm>> -> memref<128x64xf32, #tpu.memory_space<hbm>>
        %dma_wait3A_208 = arith.constant 0 : i32
        %dma_wait3A_209 = tpu.memref_slice %arg6[%add3A_152, %dma_wait3A_208] : memref<327680x64xf32, #tpu.memory_space<hbm>> -> memref<128x64xf32, #tpu.memory_space<hbm>>
        tpu.wait_dma2 semaphore(%run_scoped3A : memref<!tpu.dma_semaphore, #tpu.memory_space<semaphore_mem>>) src(%arg13 : memref<128x64xf32, #tpu.memory_space<vmem>>) dst(%dma_wait3A_209 : memref<128x64xf32, #tpu.memory_space<hbm>>)
        tpu.yield
      }) : () -> ()
      %mul3A_153 = arith.constant 8 : i32
      %mul3A_154 = arith.muli %scan3A_18, %mul3A_153 : i32
      %add3A_155 = arith.constant 4 : i32
      %add3A_156 = arith.addi %mul3A_154, %add3A_155 : i32
      %mul3A_157 = arith.constant 128 : i32
      %mul3A_158 = arith.muli %add3A_156, %mul3A_157 : i32
      %multiple_of3A_159 = tpu.assume_multiple %mul3A_158, 128 : i32
      %dma_wait3A_160 = tpu.memref_slice %arg8[%multiple_of3A_68] : memref<10240xi32, #tpu.memory_space<vmem>> -> memref<128xi32, #tpu.memory_space<vmem>>
      %dma_wait3A_161 = arith.constant 0 : i32
      %dma_wait3A_162 = arith.constant 0 : i32
      %dma_wait3A_163 = tpu.memref_slice %arg2[%dma_wait3A_161, %dma_wait3A_162] : memref<100000x64xf32, #tpu.memory_space<hbm>> -> memref<100000x64xf32, #tpu.memory_space<hbm>>
      tpu.wait_indirect_dma semaphore(%arg22 : memref<!tpu.dma_semaphore, #tpu.memory_space<semaphore_mem>>) src(%dma_wait3A_163 : memref<100000x64xf32, #tpu.memory_space<hbm>>) dst(%arg14 : memref<128x64xf32, #tpu.memory_space<vmem>>)
      %add3A_164 = arith.addi %mul3A_2, %multiple_of3A_159 : i32
      "tpu.region"() ({
        %run_scoped3A = tpu.sem_alloc : memref<!tpu.dma_semaphore, #tpu.memory_space<semaphore_mem>>
        %dma_start3A_202 = arith.constant 0 : i32
        %dma_start3A_203 = tpu.memref_slice %arg6[%add3A_164, %dma_start3A_202] : memref<327680x64xf32, #tpu.memory_space<hbm>> -> memref<128x64xf32, #tpu.memory_space<hbm>>
        %dma_start3A_204 = arith.constant 0 : i32
        %dma_start3A_205 = tpu.memref_slice %arg6[%add3A_164, %dma_start3A_204] : memref<327680x64xf32, #tpu.memory_space<hbm>> -> memref<128x64xf32, #tpu.memory_space<hbm>>
        tpu.enqueue_dma source(%arg14 : memref<128x64xf32, #tpu.memory_space<vmem>>) target(%dma_start3A_205 : memref<128x64xf32, #tpu.memory_space<hbm>>) target_semaphore(%run_scoped3A : memref<!tpu.dma_semaphore, #tpu.memory_space<semaphore_mem>>)
        %dma_wait3A_206 = arith.constant 0 : i32
        %dma_wait3A_207 = tpu.memref_slice %arg6[%add3A_164, %dma_wait3A_206] : memref<327680x64xf32, #tpu.memory_space<hbm>> -> memref<128x64xf32, #tpu.memory_space<hbm>>
        %dma_wait3A_208 = arith.constant 0 : i32
        %dma_wait3A_209 = tpu.memref_slice %arg6[%add3A_164, %dma_wait3A_208] : memref<327680x64xf32, #tpu.memory_space<hbm>> -> memref<128x64xf32, #tpu.memory_space<hbm>>
        tpu.wait_dma2 semaphore(%run_scoped3A : memref<!tpu.dma_semaphore, #tpu.memory_space<semaphore_mem>>) src(%arg14 : memref<128x64xf32, #tpu.memory_space<vmem>>) dst(%dma_wait3A_209 : memref<128x64xf32, #tpu.memory_space<hbm>>)
        tpu.yield
      }) : () -> ()
      %mul3A_165 = arith.constant 8 : i32
      %mul3A_166 = arith.muli %scan3A_18, %mul3A_165 : i32
      %add3A_167 = arith.constant 5 : i32
      %add3A_168 = arith.addi %mul3A_166, %add3A_167 : i32
      %mul3A_169 = arith.constant 128 : i32
      %mul3A_170 = arith.muli %add3A_168, %mul3A_169 : i32
      %multiple_of3A_171 = tpu.assume_multiple %mul3A_170, 128 : i32
      %dma_wait3A_172 = tpu.memref_slice %arg8[%multiple_of3A_79] : memref<10240xi32, #tpu.memory_space<vmem>> -> memref<128xi32, #tpu.memory_space<vmem>>
      %dma_wait3A_173 = arith.constant 0 : i32
      %dma_wait3A_174 = arith.constant 0 : i32
      %dma_wait3A_175 = tpu.memref_slice %arg2[%dma_wait3A_173, %dma_wait3A_174] : memref<100000x64xf32, #tpu.memory_space<hbm>> -> memref<100000x64xf32, #tpu.memory_space<hbm>>
      tpu.wait_indirect_dma semaphore(%arg23 : memref<!tpu.dma_semaphore, #tpu.memory_space<semaphore_mem>>) src(%dma_wait3A_175 : memref<100000x64xf32, #tpu.memory_space<hbm>>) dst(%arg15 : memref<128x64xf32, #tpu.memory_space<vmem>>)
      %add3A_176 = arith.addi %mul3A_2, %multiple_of3A_171 : i32
      "tpu.region"() ({
        %run_scoped3A = tpu.sem_alloc : memref<!tpu.dma_semaphore, #tpu.memory_space<semaphore_mem>>
        %dma_start3A_202 = arith.constant 0 : i32
        %dma_start3A_203 = tpu.memref_slice %arg6[%add3A_176, %dma_start3A_202] : memref<327680x64xf32, #tpu.memory_space<hbm>> -> memref<128x64xf32, #tpu.memory_space<hbm>>
        %dma_start3A_204 = arith.constant 0 : i32
        %dma_start3A_205 = tpu.memref_slice %arg6[%add3A_176, %dma_start3A_204] : memref<327680x64xf32, #tpu.memory_space<hbm>> -> memref<128x64xf32, #tpu.memory_space<hbm>>
        tpu.enqueue_dma source(%arg15 : memref<128x64xf32, #tpu.memory_space<vmem>>) target(%dma_start3A_205 : memref<128x64xf32, #tpu.memory_space<hbm>>) target_semaphore(%run_scoped3A : memref<!tpu.dma_semaphore, #tpu.memory_space<semaphore_mem>>)
        %dma_wait3A_206 = arith.constant 0 : i32
        %dma_wait3A_207 = tpu.memref_slice %arg6[%add3A_176, %dma_wait3A_206] : memref<327680x64xf32, #tpu.memory_space<hbm>> -> memref<128x64xf32, #tpu.memory_space<hbm>>
        %dma_wait3A_208 = arith.constant 0 : i32
        %dma_wait3A_209 = tpu.memref_slice %arg6[%add3A_176, %dma_wait3A_208] : memref<327680x64xf32, #tpu.memory_space<hbm>> -> memref<128x64xf32, #tpu.memory_space<hbm>>
        tpu.wait_dma2 semaphore(%run_scoped3A : memref<!tpu.dma_semaphore, #tpu.memory_space<semaphore_mem>>) src(%arg15 : memref<128x64xf32, #tpu.memory_space<vmem>>) dst(%dma_wait3A_209 : memref<128x64xf32, #tpu.memory_space<hbm>>)
        tpu.yield
      }) : () -> ()
      %mul3A_177 = arith.constant 8 : i32
      %mul3A_178 = arith.muli %scan3A_18, %mul3A_177 : i32
      %add3A_179 = arith.constant 6 : i32
      %add3A_180 = arith.addi %mul3A_178, %add3A_179 : i32
      %mul3A_181 = arith.constant 128 : i32
      %mul3A_182 = arith.muli %add3A_180, %mul3A_181 : i32
      %multiple_of3A_183 = tpu.assume_multiple %mul3A_182, 128 : i32
      %dma_wait3A_184 = tpu.memref_slice %arg8[%multiple_of3A_90] : memref<10240xi32, #tpu.memory_space<vmem>> -> memref<128xi32, #tpu.memory_space<vmem>>
      %dma_wait3A_185 = arith.constant 0 : i32
      %dma_wait3A_186 = arith.constant 0 : i32
      %dma_wait3A_187 = tpu.memref_slice %arg2[%dma_wait3A_185, %dma_wait3A_186] : memref<100000x64xf32, #tpu.memory_space<hbm>> -> memref<100000x64xf32, #tpu.memory_space<hbm>>
      tpu.wait_indirect_dma semaphore(%arg24 : memref<!tpu.dma_semaphore, #tpu.memory_space<semaphore_mem>>) src(%dma_wait3A_187 : memref<100000x64xf32, #tpu.memory_space<hbm>>) dst(%arg16 : memref<128x64xf32, #tpu.memory_space<vmem>>)
      %add3A_188 = arith.addi %mul3A_2, %multiple_of3A_183 : i32
      "tpu.region"() ({
        %run_scoped3A = tpu.sem_alloc : memref<!tpu.dma_semaphore, #tpu.memory_space<semaphore_mem>>
        %dma_start3A_202 = arith.constant 0 : i32
        %dma_start3A_203 = tpu.memref_slice %arg6[%add3A_188, %dma_start3A_202] : memref<327680x64xf32, #tpu.memory_space<hbm>> -> memref<128x64xf32, #tpu.memory_space<hbm>>
        %dma_start3A_204 = arith.constant 0 : i32
        %dma_start3A_205 = tpu.memref_slice %arg6[%add3A_188, %dma_start3A_204] : memref<327680x64xf32, #tpu.memory_space<hbm>> -> memref<128x64xf32, #tpu.memory_space<hbm>>
        tpu.enqueue_dma source(%arg16 : memref<128x64xf32, #tpu.memory_space<vmem>>) target(%dma_start3A_205 : memref<128x64xf32, #tpu.memory_space<hbm>>) target_semaphore(%run_scoped3A : memref<!tpu.dma_semaphore, #tpu.memory_space<semaphore_mem>>)
        %dma_wait3A_206 = arith.constant 0 : i32
        %dma_wait3A_207 = tpu.memref_slice %arg6[%add3A_188, %dma_wait3A_206] : memref<327680x64xf32, #tpu.memory_space<hbm>> -> memref<128x64xf32, #tpu.memory_space<hbm>>
        %dma_wait3A_208 = arith.constant 0 : i32
        %dma_wait3A_209 = tpu.memref_slice %arg6[%add3A_188, %dma_wait3A_208] : memref<327680x64xf32, #tpu.memory_space<hbm>> -> memref<128x64xf32, #tpu.memory_space<hbm>>
        tpu.wait_dma2 semaphore(%run_scoped3A : memref<!tpu.dma_semaphore, #tpu.memory_space<semaphore_mem>>) src(%arg16 : memref<128x64xf32, #tpu.memory_space<vmem>>) dst(%dma_wait3A_209 : memref<128x64xf32, #tpu.memory_space<hbm>>)
        tpu.yield
      }) : () -> ()
      %mul3A_189 = arith.constant 8 : i32
      %mul3A_190 = arith.muli %scan3A_18, %mul3A_189 : i32
      %add3A_191 = arith.constant 7 : i32
      %add3A_192 = arith.addi %mul3A_190, %add3A_191 : i32
      %mul3A_193 = arith.constant 128 : i32
      %mul3A_194 = arith.muli %add3A_192, %mul3A_193 : i32
      %multiple_of3A_195 = tpu.assume_multiple %mul3A_194, 128 : i32
      %dma_wait3A_196 = tpu.memref_slice %arg8[%multiple_of3A_101] : memref<10240xi32, #tpu.memory_space<vmem>> -> memref<128xi32, #tpu.memory_space<vmem>>
      %dma_wait3A_197 = arith.constant 0 : i32
      %dma_wait3A_198 = arith.constant 0 : i32
      %dma_wait3A_199 = tpu.memref_slice %arg2[%dma_wait3A_197, %dma_wait3A_198] : memref<100000x64xf32, #tpu.memory_space<hbm>> -> memref<100000x64xf32, #tpu.memory_space<hbm>>
      tpu.wait_indirect_dma semaphore(%arg25 : memref<!tpu.dma_semaphore, #tpu.memory_space<semaphore_mem>>) src(%dma_wait3A_199 : memref<100000x64xf32, #tpu.memory_space<hbm>>) dst(%arg17 : memref<128x64xf32, #tpu.memory_space<vmem>>)
      %add3A_200 = arith.addi %mul3A_2, %multiple_of3A_195 : i32
      "tpu.region"() ({
        %run_scoped3A = tpu.sem_alloc : memref<!tpu.dma_semaphore, #tpu.memory_space<semaphore_mem>>
        %dma_start3A_202 = arith.constant 0 : i32
        %dma_start3A_203 = tpu.memref_slice %arg6[%add3A_200, %dma_start3A_202] : memref<327680x64xf32, #tpu.memory_space<hbm>> -> memref<128x64xf32, #tpu.memory_space<hbm>>
        %dma_start3A_204 = arith.constant 0 : i32
        %dma_start3A_205 = tpu.memref_slice %arg6[%add3A_200, %dma_start3A_204] : memref<327680x64xf32, #tpu.memory_space<hbm>> -> memref<128x64xf32, #tpu.memory_space<hbm>>
        tpu.enqueue_dma source(%arg17 : memref<128x64xf32, #tpu.memory_space<vmem>>) target(%dma_start3A_205 : memref<128x64xf32, #tpu.memory_space<hbm>>) target_semaphore(%run_scoped3A : memref<!tpu.dma_semaphore, #tpu.memory_space<semaphore_mem>>)
        %dma_wait3A_206 = arith.constant 0 : i32
        %dma_wait3A_207 = tpu.memref_slice %arg6[%add3A_200, %dma_wait3A_206] : memref<327680x64xf32, #tpu.memory_space<hbm>> -> memref<128x64xf32, #tpu.memory_space<hbm>>
        %dma_wait3A_208 = arith.constant 0 : i32
        %dma_wait3A_209 = tpu.memref_slice %arg6[%add3A_200, %dma_wait3A_208] : memref<327680x64xf32, #tpu.memory_space<hbm>> -> memref<128x64xf32, #tpu.memory_space<hbm>>
        tpu.wait_dma2 semaphore(%run_scoped3A : memref<!tpu.dma_semaphore, #tpu.memory_space<semaphore_mem>>) src(%arg17 : memref<128x64xf32, #tpu.memory_space<vmem>>) dst(%dma_wait3A_209 : memref<128x64xf32, #tpu.memory_space<hbm>>)
        tpu.yield
      }) : () -> ()
      %scan3A_201 = arith.constant 0 : i32
      scf.yield %scan3A_201 : i32
    }
    %scan3A_10 = arith.constant 10 : i32
    %scan3A_11 = arith.constant 0 : i32
    %scan3A_12 = arith.constant 0 : i32
    %scan3A_13 = arith.constant 26 : i32
    %scan3A_14 = arith.addi %scan3A_12, %scan3A_13 : i32
    %scan3A_15 = arith.constant 1 : i32
    %scan3A_16 = scf.for %scan3A_18 = %scan3A_12 to %scan3A_14 step %scan3A_15 iter_args(%scan3A_19 = %scan3A_11) -> (i32)  : i32 {
      %mul3A_20 = arith.constant 8 : i32
      %mul3A_21 = arith.muli %scan3A_18, %mul3A_20 : i32
      %add3A_22 = arith.constant 0 : i32
      %add3A_23 = arith.addi %mul3A_21, %add3A_22 : i32
      %mul3A_24 = arith.constant 128 : i32
      %mul3A_25 = arith.muli %add3A_23, %mul3A_24 : i32
      %multiple_of3A = tpu.assume_multiple %mul3A_25, 128 : i32
      %dma_start3A = tpu.memref_slice %arg9[%multiple_of3A] : memref<26624xi32, #tpu.memory_space<vmem>> -> memref<128xi32, #tpu.memory_space<vmem>>
      %dma_start3A_26 = arith.constant 0 : i32
      %dma_start3A_27 = arith.constant 0 : i32
      %dma_start3A_28 = tpu.memref_slice %arg3[%dma_start3A_26, %dma_start3A_27] : memref<100000x64xf32, #tpu.memory_space<hbm>> -> memref<100000x64xf32, #tpu.memory_space<hbm>>
      tpu.enqueue_indirect_dma source(%dma_start3A_28 : memref<100000x64xf32, #tpu.memory_space<hbm>>) target(%arg10 : memref<128x64xf32, #tpu.memory_space<vmem>>) offsets(%dma_start3A : memref<128xi32, #tpu.memory_space<vmem>>) semaphore(%arg18 : memref<!tpu.dma_semaphore, #tpu.memory_space<semaphore_mem>>)
      %mul3A_29 = arith.constant 8 : i32
      %mul3A_30 = arith.muli %scan3A_18, %mul3A_29 : i32
      %add3A_31 = arith.constant 1 : i32
      %add3A_32 = arith.addi %mul3A_30, %add3A_31 : i32
      %mul3A_33 = arith.constant 128 : i32
      %mul3A_34 = arith.muli %add3A_32, %mul3A_33 : i32
      %multiple_of3A_35 = tpu.assume_multiple %mul3A_34, 128 : i32
      %dma_start3A_36 = tpu.memref_slice %arg9[%multiple_of3A_35] : memref<26624xi32, #tpu.memory_space<vmem>> -> memref<128xi32, #tpu.memory_space<vmem>>
      %dma_start3A_37 = arith.constant 0 : i32
      %dma_start3A_38 = arith.constant 0 : i32
      %dma_start3A_39 = tpu.memref_slice %arg3[%dma_start3A_37, %dma_start3A_38] : memref<100000x64xf32, #tpu.memory_space<hbm>> -> memref<100000x64xf32, #tpu.memory_space<hbm>>
      tpu.enqueue_indirect_dma source(%dma_start3A_39 : memref<100000x64xf32, #tpu.memory_space<hbm>>) target(%arg11 : memref<128x64xf32, #tpu.memory_space<vmem>>) offsets(%dma_start3A_36 : memref<128xi32, #tpu.memory_space<vmem>>) semaphore(%arg19 : memref<!tpu.dma_semaphore, #tpu.memory_space<semaphore_mem>>)
      %mul3A_40 = arith.constant 8 : i32
      %mul3A_41 = arith.muli %scan3A_18, %mul3A_40 : i32
      %add3A_42 = arith.constant 2 : i32
      %add3A_43 = arith.addi %mul3A_41, %add3A_42 : i32
      %mul3A_44 = arith.constant 128 : i32
      %mul3A_45 = arith.muli %add3A_43, %mul3A_44 : i32
      %multiple_of3A_46 = tpu.assume_multiple %mul3A_45, 128 : i32
      %dma_start3A_47 = tpu.memref_slice %arg9[%multiple_of3A_46] : memref<26624xi32, #tpu.memory_space<vmem>> -> memref<128xi32, #tpu.memory_space<vmem>>
      %dma_start3A_48 = arith.constant 0 : i32
      %dma_start3A_49 = arith.constant 0 : i32
      %dma_start3A_50 = tpu.memref_slice %arg3[%dma_start3A_48, %dma_start3A_49] : memref<100000x64xf32, #tpu.memory_space<hbm>> -> memref<100000x64xf32, #tpu.memory_space<hbm>>
      tpu.enqueue_indirect_dma source(%dma_start3A_50 : memref<100000x64xf32, #tpu.memory_space<hbm>>) target(%arg12 : memref<128x64xf32, #tpu.memory_space<vmem>>) offsets(%dma_start3A_47 : memref<128xi32, #tpu.memory_space<vmem>>) semaphore(%arg20 : memref<!tpu.dma_semaphore, #tpu.memory_space<semaphore_mem>>)
      %mul3A_51 = arith.constant 8 : i32
      %mul3A_52 = arith.muli %scan3A_18, %mul3A_51 : i32
      %add3A_53 = arith.constant 3 : i32
      %add3A_54 = arith.addi %mul3A_52, %add3A_53 : i32
      %mul3A_55 = arith.constant 128 : i32
      %mul3A_56 = arith.muli %add3A_54, %mul3A_55 : i32
      %multiple_of3A_57 = tpu.assume_multiple %mul3A_56, 128 : i32
      %dma_start3A_58 = tpu.memref_slice %arg9[%multiple_of3A_57] : memref<26624xi32, #tpu.memory_space<vmem>> -> memref<128xi32, #tpu.memory_space<vmem>>
      %dma_start3A_59 = arith.constant 0 : i32
      %dma_start3A_60 = arith.constant 0 : i32
      %dma_start3A_61 = tpu.memref_slice %arg3[%dma_start3A_59, %dma_start3A_60] : memref<100000x64xf32, #tpu.memory_space<hbm>> -> memref<100000x64xf32, #tpu.memory_space<hbm>>
      tpu.enqueue_indirect_dma source(%dma_start3A_61 : memref<100000x64xf32, #tpu.memory_space<hbm>>) target(%arg13 : memref<128x64xf32, #tpu.memory_space<vmem>>) offsets(%dma_start3A_58 : memref<128xi32, #tpu.memory_space<vmem>>) semaphore(%arg21 : memref<!tpu.dma_semaphore, #tpu.memory_space<semaphore_mem>>)
      %mul3A_62 = arith.constant 8 : i32
      %mul3A_63 = arith.muli %scan3A_18, %mul3A_62 : i32
      %add3A_64 = arith.constant 4 : i32
      %add3A_65 = arith.addi %mul3A_63, %add3A_64 : i32
      %mul3A_66 = arith.constant 128 : i32
      %mul3A_67 = arith.muli %add3A_65, %mul3A_66 : i32
      %multiple_of3A_68 = tpu.assume_multiple %mul3A_67, 128 : i32
      %dma_start3A_69 = tpu.memref_slice %arg9[%multiple_of3A_68] : memref<26624xi32, #tpu.memory_space<vmem>> -> memref<128xi32, #tpu.memory_space<vmem>>
      %dma_start3A_70 = arith.constant 0 : i32
      %dma_start3A_71 = arith.constant 0 : i32
      %dma_start3A_72 = tpu.memref_slice %arg3[%dma_start3A_70, %dma_start3A_71] : memref<100000x64xf32, #tpu.memory_space<hbm>> -> memref<100000x64xf32, #tpu.memory_space<hbm>>
      tpu.enqueue_indirect_dma source(%dma_start3A_72 : memref<100000x64xf32, #tpu.memory_space<hbm>>) target(%arg14 : memref<128x64xf32, #tpu.memory_space<vmem>>) offsets(%dma_start3A_69 : memref<128xi32, #tpu.memory_space<vmem>>) semaphore(%arg22 : memref<!tpu.dma_semaphore, #tpu.memory_space<semaphore_mem>>)
      %mul3A_73 = arith.constant 8 : i32
      %mul3A_74 = arith.muli %scan3A_18, %mul3A_73 : i32
      %add3A_75 = arith.constant 5 : i32
      %add3A_76 = arith.addi %mul3A_74, %add3A_75 : i32
      %mul3A_77 = arith.constant 128 : i32
      %mul3A_78 = arith.muli %add3A_76, %mul3A_77 : i32
      %multiple_of3A_79 = tpu.assume_multiple %mul3A_78, 128 : i32
      %dma_start3A_80 = tpu.memref_slice %arg9[%multiple_of3A_79] : memref<26624xi32, #tpu.memory_space<vmem>> -> memref<128xi32, #tpu.memory_space<vmem>>
      %dma_start3A_81 = arith.constant 0 : i32
      %dma_start3A_82 = arith.constant 0 : i32
      %dma_start3A_83 = tpu.memref_slice %arg3[%dma_start3A_81, %dma_start3A_82] : memref<100000x64xf32, #tpu.memory_space<hbm>> -> memref<100000x64xf32, #tpu.memory_space<hbm>>
      tpu.enqueue_indirect_dma source(%dma_start3A_83 : memref<100000x64xf32, #tpu.memory_space<hbm>>) target(%arg15 : memref<128x64xf32, #tpu.memory_space<vmem>>) offsets(%dma_start3A_80 : memref<128xi32, #tpu.memory_space<vmem>>) semaphore(%arg23 : memref<!tpu.dma_semaphore, #tpu.memory_space<semaphore_mem>>)
      %mul3A_84 = arith.constant 8 : i32
      %mul3A_85 = arith.muli %scan3A_18, %mul3A_84 : i32
      %add3A_86 = arith.constant 6 : i32
      %add3A_87 = arith.addi %mul3A_85, %add3A_86 : i32
      %mul3A_88 = arith.constant 128 : i32
      %mul3A_89 = arith.muli %add3A_87, %mul3A_88 : i32
      %multiple_of3A_90 = tpu.assume_multiple %mul3A_89, 128 : i32
      %dma_start3A_91 = tpu.memref_slice %arg9[%multiple_of3A_90] : memref<26624xi32, #tpu.memory_space<vmem>> -> memref<128xi32, #tpu.memory_space<vmem>>
      %dma_start3A_92 = arith.constant 0 : i32
      %dma_start3A_93 = arith.constant 0 : i32
      %dma_start3A_94 = tpu.memref_slice %arg3[%dma_start3A_92, %dma_start3A_93] : memref<100000x64xf32, #tpu.memory_space<hbm>> -> memref<100000x64xf32, #tpu.memory_space<hbm>>
      tpu.enqueue_indirect_dma source(%dma_start3A_94 : memref<100000x64xf32, #tpu.memory_space<hbm>>) target(%arg16 : memref<128x64xf32, #tpu.memory_space<vmem>>) offsets(%dma_start3A_91 : memref<128xi32, #tpu.memory_space<vmem>>) semaphore(%arg24 : memref<!tpu.dma_semaphore, #tpu.memory_space<semaphore_mem>>)
      %mul3A_95 = arith.constant 8 : i32
      %mul3A_96 = arith.muli %scan3A_18, %mul3A_95 : i32
      %add3A_97 = arith.constant 7 : i32
      %add3A_98 = arith.addi %mul3A_96, %add3A_97 : i32
      %mul3A_99 = arith.constant 128 : i32
      %mul3A_100 = arith.muli %add3A_98, %mul3A_99 : i32
      %multiple_of3A_101 = tpu.assume_multiple %mul3A_100, 128 : i32
      %dma_start3A_102 = tpu.memref_slice %arg9[%multiple_of3A_101] : memref<26624xi32, #tpu.memory_space<vmem>> -> memref<128xi32, #tpu.memory_space<vmem>>
      %dma_start3A_103 = arith.constant 0 : i32
      %dma_start3A_104 = arith.constant 0 : i32
      %dma_start3A_105 = tpu.memref_slice %arg3[%dma_start3A_103, %dma_start3A_104] : memref<100000x64xf32, #tpu.memory_space<hbm>> -> memref<100000x64xf32, #tpu.memory_space<hbm>>
      tpu.enqueue_indirect_dma source(%dma_start3A_105 : memref<100000x64xf32, #tpu.memory_space<hbm>>) target(%arg17 : memref<128x64xf32, #tpu.memory_space<vmem>>) offsets(%dma_start3A_102 : memref<128xi32, #tpu.memory_space<vmem>>) semaphore(%arg25 : memref<!tpu.dma_semaphore, #tpu.memory_space<semaphore_mem>>)
      %mul3A_106 = arith.constant 8 : i32
      %mul3A_107 = arith.muli %scan3A_18, %mul3A_106 : i32
      %add3A_108 = arith.constant 0 : i32
      %add3A_109 = arith.addi %mul3A_107, %add3A_108 : i32
      %mul3A_110 = arith.constant 128 : i32
      %mul3A_111 = arith.muli %add3A_109, %mul3A_110 : i32
      %multiple_of3A_112 = tpu.assume_multiple %mul3A_111, 128 : i32
      %dma_wait3A = tpu.memref_slice %arg9[%multiple_of3A] : memref<26624xi32, #tpu.memory_space<vmem>> -> memref<128xi32, #tpu.memory_space<vmem>>
      %dma_wait3A_113 = arith.constant 0 : i32
      %dma_wait3A_114 = arith.constant 0 : i32
      %dma_wait3A_115 = tpu.memref_slice %arg3[%dma_wait3A_113, %dma_wait3A_114] : memref<100000x64xf32, #tpu.memory_space<hbm>> -> memref<100000x64xf32, #tpu.memory_space<hbm>>
      tpu.wait_indirect_dma semaphore(%arg18 : memref<!tpu.dma_semaphore, #tpu.memory_space<semaphore_mem>>) src(%dma_wait3A_115 : memref<100000x64xf32, #tpu.memory_space<hbm>>) dst(%arg10 : memref<128x64xf32, #tpu.memory_space<vmem>>)
      %add3A_116 = arith.addi %mul3A_4, %multiple_of3A_112 : i32
      "tpu.region"() ({
        %run_scoped3A = tpu.sem_alloc : memref<!tpu.dma_semaphore, #tpu.memory_space<semaphore_mem>>
        %dma_start3A_202 = arith.constant 0 : i32
        %dma_start3A_203 = tpu.memref_slice %arg7[%add3A_116, %dma_start3A_202] : memref<851968x64xf32, #tpu.memory_space<hbm>> -> memref<128x64xf32, #tpu.memory_space<hbm>>
        %dma_start3A_204 = arith.constant 0 : i32
        %dma_start3A_205 = tpu.memref_slice %arg7[%add3A_116, %dma_start3A_204] : memref<851968x64xf32, #tpu.memory_space<hbm>> -> memref<128x64xf32, #tpu.memory_space<hbm>>
        tpu.enqueue_dma source(%arg10 : memref<128x64xf32, #tpu.memory_space<vmem>>) target(%dma_start3A_205 : memref<128x64xf32, #tpu.memory_space<hbm>>) target_semaphore(%run_scoped3A : memref<!tpu.dma_semaphore, #tpu.memory_space<semaphore_mem>>)
        %dma_wait3A_206 = arith.constant 0 : i32
        %dma_wait3A_207 = tpu.memref_slice %arg7[%add3A_116, %dma_wait3A_206] : memref<851968x64xf32, #tpu.memory_space<hbm>> -> memref<128x64xf32, #tpu.memory_space<hbm>>
        %dma_wait3A_208 = arith.constant 0 : i32
        %dma_wait3A_209 = tpu.memref_slice %arg7[%add3A_116, %dma_wait3A_208] : memref<851968x64xf32, #tpu.memory_space<hbm>> -> memref<128x64xf32, #tpu.memory_space<hbm>>
        tpu.wait_dma2 semaphore(%run_scoped3A : memref<!tpu.dma_semaphore, #tpu.memory_space<semaphore_mem>>) src(%arg10 : memref<128x64xf32, #tpu.memory_space<vmem>>) dst(%dma_wait3A_209 : memref<128x64xf32, #tpu.memory_space<hbm>>)
        tpu.yield
      }) : () -> ()
      %mul3A_117 = arith.constant 8 : i32
      %mul3A_118 = arith.muli %scan3A_18, %mul3A_117 : i32
      %add3A_119 = arith.constant 1 : i32
      %add3A_120 = arith.addi %mul3A_118, %add3A_119 : i32
      %mul3A_121 = arith.constant 128 : i32
      %mul3A_122 = arith.muli %add3A_120, %mul3A_121 : i32
      %multiple_of3A_123 = tpu.assume_multiple %mul3A_122, 128 : i32
      %dma_wait3A_124 = tpu.memref_slice %arg9[%multiple_of3A_35] : memref<26624xi32, #tpu.memory_space<vmem>> -> memref<128xi32, #tpu.memory_space<vmem>>
      %dma_wait3A_125 = arith.constant 0 : i32
      %dma_wait3A_126 = arith.constant 0 : i32
      %dma_wait3A_127 = tpu.memref_slice %arg3[%dma_wait3A_125, %dma_wait3A_126] : memref<100000x64xf32, #tpu.memory_space<hbm>> -> memref<100000x64xf32, #tpu.memory_space<hbm>>
      tpu.wait_indirect_dma semaphore(%arg19 : memref<!tpu.dma_semaphore, #tpu.memory_space<semaphore_mem>>) src(%dma_wait3A_127 : memref<100000x64xf32, #tpu.memory_space<hbm>>) dst(%arg11 : memref<128x64xf32, #tpu.memory_space<vmem>>)
      %add3A_128 = arith.addi %mul3A_4, %multiple_of3A_123 : i32
      "tpu.region"() ({
        %run_scoped3A = tpu.sem_alloc : memref<!tpu.dma_semaphore, #tpu.memory_space<semaphore_mem>>
        %dma_start3A_202 = arith.constant 0 : i32
        %dma_start3A_203 = tpu.memref_slice %arg7[%add3A_128, %dma_start3A_202] : memref<851968x64xf32, #tpu.memory_space<hbm>> -> memref<128x64xf32, #tpu.memory_space<hbm>>
        %dma_start3A_204 = arith.constant 0 : i32
        %dma_start3A_205 = tpu.memref_slice %arg7[%add3A_128, %dma_start3A_204] : memref<851968x64xf32, #tpu.memory_space<hbm>> -> memref<128x64xf32, #tpu.memory_space<hbm>>
        tpu.enqueue_dma source(%arg11 : memref<128x64xf32, #tpu.memory_space<vmem>>) target(%dma_start3A_205 : memref<128x64xf32, #tpu.memory_space<hbm>>) target_semaphore(%run_scoped3A : memref<!tpu.dma_semaphore, #tpu.memory_space<semaphore_mem>>)
        %dma_wait3A_206 = arith.constant 0 : i32
        %dma_wait3A_207 = tpu.memref_slice %arg7[%add3A_128, %dma_wait3A_206] : memref<851968x64xf32, #tpu.memory_space<hbm>> -> memref<128x64xf32, #tpu.memory_space<hbm>>
        %dma_wait3A_208 = arith.constant 0 : i32
        %dma_wait3A_209 = tpu.memref_slice %arg7[%add3A_128, %dma_wait3A_208] : memref<851968x64xf32, #tpu.memory_space<hbm>> -> memref<128x64xf32, #tpu.memory_space<hbm>>
        tpu.wait_dma2 semaphore(%run_scoped3A : memref<!tpu.dma_semaphore, #tpu.memory_space<semaphore_mem>>) src(%arg11 : memref<128x64xf32, #tpu.memory_space<vmem>>) dst(%dma_wait3A_209 : memref<128x64xf32, #tpu.memory_space<hbm>>)
        tpu.yield
      }) : () -> ()
      %mul3A_129 = arith.constant 8 : i32
      %mul3A_130 = arith.muli %scan3A_18, %mul3A_129 : i32
      %add3A_131 = arith.constant 2 : i32
      %add3A_132 = arith.addi %mul3A_130, %add3A_131 : i32
      %mul3A_133 = arith.constant 128 : i32
      %mul3A_134 = arith.muli %add3A_132, %mul3A_133 : i32
      %multiple_of3A_135 = tpu.assume_multiple %mul3A_134, 128 : i32
      %dma_wait3A_136 = tpu.memref_slice %arg9[%multiple_of3A_46] : memref<26624xi32, #tpu.memory_space<vmem>> -> memref<128xi32, #tpu.memory_space<vmem>>
      %dma_wait3A_137 = arith.constant 0 : i32
      %dma_wait3A_138 = arith.constant 0 : i32
      %dma_wait3A_139 = tpu.memref_slice %arg3[%dma_wait3A_137, %dma_wait3A_138] : memref<100000x64xf32, #tpu.memory_space<hbm>> -> memref<100000x64xf32, #tpu.memory_space<hbm>>
      tpu.wait_indirect_dma semaphore(%arg20 : memref<!tpu.dma_semaphore, #tpu.memory_space<semaphore_mem>>) src(%dma_wait3A_139 : memref<100000x64xf32, #tpu.memory_space<hbm>>) dst(%arg12 : memref<128x64xf32, #tpu.memory_space<vmem>>)
      %add3A_140 = arith.addi %mul3A_4, %multiple_of3A_135 : i32
      "tpu.region"() ({
        %run_scoped3A = tpu.sem_alloc : memref<!tpu.dma_semaphore, #tpu.memory_space<semaphore_mem>>
        %dma_start3A_202 = arith.constant 0 : i32
        %dma_start3A_203 = tpu.memref_slice %arg7[%add3A_140, %dma_start3A_202] : memref<851968x64xf32, #tpu.memory_space<hbm>> -> memref<128x64xf32, #tpu.memory_space<hbm>>
        %dma_start3A_204 = arith.constant 0 : i32
        %dma_start3A_205 = tpu.memref_slice %arg7[%add3A_140, %dma_start3A_204] : memref<851968x64xf32, #tpu.memory_space<hbm>> -> memref<128x64xf32, #tpu.memory_space<hbm>>
        tpu.enqueue_dma source(%arg12 : memref<128x64xf32, #tpu.memory_space<vmem>>) target(%dma_start3A_205 : memref<128x64xf32, #tpu.memory_space<hbm>>) target_semaphore(%run_scoped3A : memref<!tpu.dma_semaphore, #tpu.memory_space<semaphore_mem>>)
        %dma_wait3A_206 = arith.constant 0 : i32
        %dma_wait3A_207 = tpu.memref_slice %arg7[%add3A_140, %dma_wait3A_206] : memref<851968x64xf32, #tpu.memory_space<hbm>> -> memref<128x64xf32, #tpu.memory_space<hbm>>
        %dma_wait3A_208 = arith.constant 0 : i32
        %dma_wait3A_209 = tpu.memref_slice %arg7[%add3A_140, %dma_wait3A_208] : memref<851968x64xf32, #tpu.memory_space<hbm>> -> memref<128x64xf32, #tpu.memory_space<hbm>>
        tpu.wait_dma2 semaphore(%run_scoped3A : memref<!tpu.dma_semaphore, #tpu.memory_space<semaphore_mem>>) src(%arg12 : memref<128x64xf32, #tpu.memory_space<vmem>>) dst(%dma_wait3A_209 : memref<128x64xf32, #tpu.memory_space<hbm>>)
        tpu.yield
      }) : () -> ()
      %mul3A_141 = arith.constant 8 : i32
      %mul3A_142 = arith.muli %scan3A_18, %mul3A_141 : i32
      %add3A_143 = arith.constant 3 : i32
      %add3A_144 = arith.addi %mul3A_142, %add3A_143 : i32
      %mul3A_145 = arith.constant 128 : i32
      %mul3A_146 = arith.muli %add3A_144, %mul3A_145 : i32
      %multiple_of3A_147 = tpu.assume_multiple %mul3A_146, 128 : i32
      %dma_wait3A_148 = tpu.memref_slice %arg9[%multiple_of3A_57] : memref<26624xi32, #tpu.memory_space<vmem>> -> memref<128xi32, #tpu.memory_space<vmem>>
      %dma_wait3A_149 = arith.constant 0 : i32
      %dma_wait3A_150 = arith.constant 0 : i32
      %dma_wait3A_151 = tpu.memref_slice %arg3[%dma_wait3A_149, %dma_wait3A_150] : memref<100000x64xf32, #tpu.memory_space<hbm>> -> memref<100000x64xf32, #tpu.memory_space<hbm>>
      tpu.wait_indirect_dma semaphore(%arg21 : memref<!tpu.dma_semaphore, #tpu.memory_space<semaphore_mem>>) src(%dma_wait3A_151 : memref<100000x64xf32, #tpu.memory_space<hbm>>) dst(%arg13 : memref<128x64xf32, #tpu.memory_space<vmem>>)
      %add3A_152 = arith.addi %mul3A_4, %multiple_of3A_147 : i32
      "tpu.region"() ({
        %run_scoped3A = tpu.sem_alloc : memref<!tpu.dma_semaphore, #tpu.memory_space<semaphore_mem>>
        %dma_start3A_202 = arith.constant 0 : i32
        %dma_start3A_203 = tpu.memref_slice %arg7[%add3A_152, %dma_start3A_202] : memref<851968x64xf32, #tpu.memory_space<hbm>> -> memref<128x64xf32, #tpu.memory_space<hbm>>
        %dma_start3A_204 = arith.constant 0 : i32
        %dma_start3A_205 = tpu.memref_slice %arg7[%add3A_152, %dma_start3A_204] : memref<851968x64xf32, #tpu.memory_space<hbm>> -> memref<128x64xf32, #tpu.memory_space<hbm>>
        tpu.enqueue_dma source(%arg13 : memref<128x64xf32, #tpu.memory_space<vmem>>) target(%dma_start3A_205 : memref<128x64xf32, #tpu.memory_space<hbm>>) target_semaphore(%run_scoped3A : memref<!tpu.dma_semaphore, #tpu.memory_space<semaphore_mem>>)
        %dma_wait3A_206 = arith.constant 0 : i32
        %dma_wait3A_207 = tpu.memref_slice %arg7[%add3A_152, %dma_wait3A_206] : memref<851968x64xf32, #tpu.memory_space<hbm>> -> memref<128x64xf32, #tpu.memory_space<hbm>>
        %dma_wait3A_208 = arith.constant 0 : i32
        %dma_wait3A_209 = tpu.memref_slice %arg7[%add3A_152, %dma_wait3A_208] : memref<851968x64xf32, #tpu.memory_space<hbm>> -> memref<128x64xf32, #tpu.memory_space<hbm>>
        tpu.wait_dma2 semaphore(%run_scoped3A : memref<!tpu.dma_semaphore, #tpu.memory_space<semaphore_mem>>) src(%arg13 : memref<128x64xf32, #tpu.memory_space<vmem>>) dst(%dma_wait3A_209 : memref<128x64xf32, #tpu.memory_space<hbm>>)
        tpu.yield
      }) : () -> ()
      %mul3A_153 = arith.constant 8 : i32
      %mul3A_154 = arith.muli %scan3A_18, %mul3A_153 : i32
      %add3A_155 = arith.constant 4 : i32
      %add3A_156 = arith.addi %mul3A_154, %add3A_155 : i32
      %mul3A_157 = arith.constant 128 : i32
      %mul3A_158 = arith.muli %add3A_156, %mul3A_157 : i32
      %multiple_of3A_159 = tpu.assume_multiple %mul3A_158, 128 : i32
      %dma_wait3A_160 = tpu.memref_slice %arg9[%multiple_of3A_68] : memref<26624xi32, #tpu.memory_space<vmem>> -> memref<128xi32, #tpu.memory_space<vmem>>
      %dma_wait3A_161 = arith.constant 0 : i32
      %dma_wait3A_162 = arith.constant 0 : i32
      %dma_wait3A_163 = tpu.memref_slice %arg3[%dma_wait3A_161, %dma_wait3A_162] : memref<100000x64xf32, #tpu.memory_space<hbm>> -> memref<100000x64xf32, #tpu.memory_space<hbm>>
      tpu.wait_indirect_dma semaphore(%arg22 : memref<!tpu.dma_semaphore, #tpu.memory_space<semaphore_mem>>) src(%dma_wait3A_163 : memref<100000x64xf32, #tpu.memory_space<hbm>>) dst(%arg14 : memref<128x64xf32, #tpu.memory_space<vmem>>)
      %add3A_164 = arith.addi %mul3A_4, %multiple_of3A_159 : i32
      "tpu.region"() ({
        %run_scoped3A = tpu.sem_alloc : memref<!tpu.dma_semaphore, #tpu.memory_space<semaphore_mem>>
        %dma_start3A_202 = arith.constant 0 : i32
        %dma_start3A_203 = tpu.memref_slice %arg7[%add3A_164, %dma_start3A_202] : memref<851968x64xf32, #tpu.memory_space<hbm>> -> memref<128x64xf32, #tpu.memory_space<hbm>>
        %dma_start3A_204 = arith.constant 0 : i32
        %dma_start3A_205 = tpu.memref_slice %arg7[%add3A_164, %dma_start3A_204] : memref<851968x64xf32, #tpu.memory_space<hbm>> -> memref<128x64xf32, #tpu.memory_space<hbm>>
        tpu.enqueue_dma source(%arg14 : memref<128x64xf32, #tpu.memory_space<vmem>>) target(%dma_start3A_205 : memref<128x64xf32, #tpu.memory_space<hbm>>) target_semaphore(%run_scoped3A : memref<!tpu.dma_semaphore, #tpu.memory_space<semaphore_mem>>)
        %dma_wait3A_206 = arith.constant 0 : i32
        %dma_wait3A_207 = tpu.memref_slice %arg7[%add3A_164, %dma_wait3A_206] : memref<851968x64xf32, #tpu.memory_space<hbm>> -> memref<128x64xf32, #tpu.memory_space<hbm>>
        %dma_wait3A_208 = arith.constant 0 : i32
        %dma_wait3A_209 = tpu.memref_slice %arg7[%add3A_164, %dma_wait3A_208] : memref<851968x64xf32, #tpu.memory_space<hbm>> -> memref<128x64xf32, #tpu.memory_space<hbm>>
        tpu.wait_dma2 semaphore(%run_scoped3A : memref<!tpu.dma_semaphore, #tpu.memory_space<semaphore_mem>>) src(%arg14 : memref<128x64xf32, #tpu.memory_space<vmem>>) dst(%dma_wait3A_209 : memref<128x64xf32, #tpu.memory_space<hbm>>)
        tpu.yield
      }) : () -> ()
      %mul3A_165 = arith.constant 8 : i32
      %mul3A_166 = arith.muli %scan3A_18, %mul3A_165 : i32
      %add3A_167 = arith.constant 5 : i32
      %add3A_168 = arith.addi %mul3A_166, %add3A_167 : i32
      %mul3A_169 = arith.constant 128 : i32
      %mul3A_170 = arith.muli %add3A_168, %mul3A_169 : i32
      %multiple_of3A_171 = tpu.assume_multiple %mul3A_170, 128 : i32
      %dma_wait3A_172 = tpu.memref_slice %arg9[%multiple_of3A_79] : memref<26624xi32, #tpu.memory_space<vmem>> -> memref<128xi32, #tpu.memory_space<vmem>>
      %dma_wait3A_173 = arith.constant 0 : i32
      %dma_wait3A_174 = arith.constant 0 : i32
      %dma_wait3A_175 = tpu.memref_slice %arg3[%dma_wait3A_173, %dma_wait3A_174] : memref<100000x64xf32, #tpu.memory_space<hbm>> -> memref<100000x64xf32, #tpu.memory_space<hbm>>
      tpu.wait_indirect_dma semaphore(%arg23 : memref<!tpu.dma_semaphore, #tpu.memory_space<semaphore_mem>>) src(%dma_wait3A_175 : memref<100000x64xf32, #tpu.memory_space<hbm>>) dst(%arg15 : memref<128x64xf32, #tpu.memory_space<vmem>>)
      %add3A_176 = arith.addi %mul3A_4, %multiple_of3A_171 : i32
      "tpu.region"() ({
        %run_scoped3A = tpu.sem_alloc : memref<!tpu.dma_semaphore, #tpu.memory_space<semaphore_mem>>
        %dma_start3A_202 = arith.constant 0 : i32
        %dma_start3A_203 = tpu.memref_slice %arg7[%add3A_176, %dma_start3A_202] : memref<851968x64xf32, #tpu.memory_space<hbm>> -> memref<128x64xf32, #tpu.memory_space<hbm>>
        %dma_start3A_204 = arith.constant 0 : i32
        %dma_start3A_205 = tpu.memref_slice %arg7[%add3A_176, %dma_start3A_204] : memref<851968x64xf32, #tpu.memory_space<hbm>> -> memref<128x64xf32, #tpu.memory_space<hbm>>
        tpu.enqueue_dma source(%arg15 : memref<128x64xf32, #tpu.memory_space<vmem>>) target(%dma_start3A_205 : memref<128x64xf32, #tpu.memory_space<hbm>>) target_semaphore(%run_scoped3A : memref<!tpu.dma_semaphore, #tpu.memory_space<semaphore_mem>>)
        %dma_wait3A_206 = arith.constant 0 : i32
        %dma_wait3A_207 = tpu.memref_slice %arg7[%add3A_176, %dma_wait3A_206] : memref<851968x64xf32, #tpu.memory_space<hbm>> -> memref<128x64xf32, #tpu.memory_space<hbm>>
        %dma_wait3A_208 = arith.constant 0 : i32
        %dma_wait3A_209 = tpu.memref_slice %arg7[%add3A_176, %dma_wait3A_208] : memref<851968x64xf32, #tpu.memory_space<hbm>> -> memref<128x64xf32, #tpu.memory_space<hbm>>
        tpu.wait_dma2 semaphore(%run_scoped3A : memref<!tpu.dma_semaphore, #tpu.memory_space<semaphore_mem>>) src(%arg15 : memref<128x64xf32, #tpu.memory_space<vmem>>) dst(%dma_wait3A_209 : memref<128x64xf32, #tpu.memory_space<hbm>>)
        tpu.yield
      }) : () -> ()
      %mul3A_177 = arith.constant 8 : i32
      %mul3A_178 = arith.muli %scan3A_18, %mul3A_177 : i32
      %add3A_179 = arith.constant 6 : i32
      %add3A_180 = arith.addi %mul3A_178, %add3A_179 : i32
      %mul3A_181 = arith.constant 128 : i32
      %mul3A_182 = arith.muli %add3A_180, %mul3A_181 : i32
      %multiple_of3A_183 = tpu.assume_multiple %mul3A_182, 128 : i32
      %dma_wait3A_184 = tpu.memref_slice %arg9[%multiple_of3A_90] : memref<26624xi32, #tpu.memory_space<vmem>> -> memref<128xi32, #tpu.memory_space<vmem>>
      %dma_wait3A_185 = arith.constant 0 : i32
      %dma_wait3A_186 = arith.constant 0 : i32
      %dma_wait3A_187 = tpu.memref_slice %arg3[%dma_wait3A_185, %dma_wait3A_186] : memref<100000x64xf32, #tpu.memory_space<hbm>> -> memref<100000x64xf32, #tpu.memory_space<hbm>>
      tpu.wait_indirect_dma semaphore(%arg24 : memref<!tpu.dma_semaphore, #tpu.memory_space<semaphore_mem>>) src(%dma_wait3A_187 : memref<100000x64xf32, #tpu.memory_space<hbm>>) dst(%arg16 : memref<128x64xf32, #tpu.memory_space<vmem>>)
      %add3A_188 = arith.addi %mul3A_4, %multiple_of3A_183 : i32
      "tpu.region"() ({
        %run_scoped3A = tpu.sem_alloc : memref<!tpu.dma_semaphore, #tpu.memory_space<semaphore_mem>>
        %dma_start3A_202 = arith.constant 0 : i32
        %dma_start3A_203 = tpu.memref_slice %arg7[%add3A_188, %dma_start3A_202] : memref<851968x64xf32, #tpu.memory_space<hbm>> -> memref<128x64xf32, #tpu.memory_space<hbm>>
        %dma_start3A_204 = arith.constant 0 : i32
        %dma_start3A_205 = tpu.memref_slice %arg7[%add3A_188, %dma_start3A_204] : memref<851968x64xf32, #tpu.memory_space<hbm>> -> memref<128x64xf32, #tpu.memory_space<hbm>>
        tpu.enqueue_dma source(%arg16 : memref<128x64xf32, #tpu.memory_space<vmem>>) target(%dma_start3A_205 : memref<128x64xf32, #tpu.memory_space<hbm>>) target_semaphore(%run_scoped3A : memref<!tpu.dma_semaphore, #tpu.memory_space<semaphore_mem>>)
        %dma_wait3A_206 = arith.constant 0 : i32
        %dma_wait3A_207 = tpu.memref_slice %arg7[%add3A_188, %dma_wait3A_206] : memref<851968x64xf32, #tpu.memory_space<hbm>> -> memref<128x64xf32, #tpu.memory_space<hbm>>
        %dma_wait3A_208 = arith.constant 0 : i32
        %dma_wait3A_209 = tpu.memref_slice %arg7[%add3A_188, %dma_wait3A_208] : memref<851968x64xf32, #tpu.memory_space<hbm>> -> memref<128x64xf32, #tpu.memory_space<hbm>>
        tpu.wait_dma2 semaphore(%run_scoped3A : memref<!tpu.dma_semaphore, #tpu.memory_space<semaphore_mem>>) src(%arg16 : memref<128x64xf32, #tpu.memory_space<vmem>>) dst(%dma_wait3A_209 : memref<128x64xf32, #tpu.memory_space<hbm>>)
        tpu.yield
      }) : () -> ()
      %mul3A_189 = arith.constant 8 : i32
      %mul3A_190 = arith.muli %scan3A_18, %mul3A_189 : i32
      %add3A_191 = arith.constant 7 : i32
      %add3A_192 = arith.addi %mul3A_190, %add3A_191 : i32
      %mul3A_193 = arith.constant 128 : i32
      %mul3A_194 = arith.muli %add3A_192, %mul3A_193 : i32
      %multiple_of3A_195 = tpu.assume_multiple %mul3A_194, 128 : i32
      %dma_wait3A_196 = tpu.memref_slice %arg9[%multiple_of3A_101] : memref<26624xi32, #tpu.memory_space<vmem>> -> memref<128xi32, #tpu.memory_space<vmem>>
      %dma_wait3A_197 = arith.constant 0 : i32
      %dma_wait3A_198 = arith.constant 0 : i32
      %dma_wait3A_199 = tpu.memref_slice %arg3[%dma_wait3A_197, %dma_wait3A_198] : memref<100000x64xf32, #tpu.memory_space<hbm>> -> memref<100000x64xf32, #tpu.memory_space<hbm>>
      tpu.wait_indirect_dma semaphore(%arg25 : memref<!tpu.dma_semaphore, #tpu.memory_space<semaphore_mem>>) src(%dma_wait3A_199 : memref<100000x64xf32, #tpu.memory_space<hbm>>) dst(%arg17 : memref<128x64xf32, #tpu.memory_space<vmem>>)
      %add3A_200 = arith.addi %mul3A_4, %multiple_of3A_195 : i32
      "tpu.region"() ({
        %run_scoped3A = tpu.sem_alloc : memref<!tpu.dma_semaphore, #tpu.memory_space<semaphore_mem>>
        %dma_start3A_202 = arith.constant 0 : i32
        %dma_start3A_203 = tpu.memref_slice %arg7[%add3A_200, %dma_start3A_202] : memref<851968x64xf32, #tpu.memory_space<hbm>> -> memref<128x64xf32, #tpu.memory_space<hbm>>
        %dma_start3A_204 = arith.constant 0 : i32
        %dma_start3A_205 = tpu.memref_slice %arg7[%add3A_200, %dma_start3A_204] : memref<851968x64xf32, #tpu.memory_space<hbm>> -> memref<128x64xf32, #tpu.memory_space<hbm>>
        tpu.enqueue_dma source(%arg17 : memref<128x64xf32, #tpu.memory_space<vmem>>) target(%dma_start3A_205 : memref<128x64xf32, #tpu.memory_space<hbm>>) target_semaphore(%run_scoped3A : memref<!tpu.dma_semaphore, #tpu.memory_space<semaphore_mem>>)
        %dma_wait3A_206 = arith.constant 0 : i32
        %dma_wait3A_207 = tpu.memref_slice %arg7[%add3A_200, %dma_wait3A_206] : memref<851968x64xf32, #tpu.memory_space<hbm>> -> memref<128x64xf32, #tpu.memory_space<hbm>>
        %dma_wait3A_208 = arith.constant 0 : i32
        %dma_wait3A_209 = tpu.memref_slice %arg7[%add3A_200, %dma_wait3A_208] : memref<851968x64xf32, #tpu.memory_space<hbm>> -> memref<128x64xf32, #tpu.memory_space<hbm>>
        tpu.wait_dma2 semaphore(%run_scoped3A : memref<!tpu.dma_semaphore, #tpu.memory_space<semaphore_mem>>) src(%arg17 : memref<128x64xf32, #tpu.memory_space<vmem>>) dst(%dma_wait3A_209 : memref<128x64xf32, #tpu.memory_space<hbm>>)
        tpu.yield
      }) : () -> ()
      %scan3A_201 = arith.constant 0 : i32
      scf.yield %scan3A_201 : i32
    }
    %scan3A_17 = arith.constant 26 : i32
    return
  }
}

module attributes {stable_mosaic.version = 14 : i64} {
  func.func @_score_body(%arg0: i32, %arg1: memref<2560x128xf32, #tpu.memory_space<vmem>>, %arg2: memref<6656x128xf32, #tpu.memory_space<vmem>>, %arg3: memref<1x1xf32, #tpu.memory_space<vmem>>) attributes {dimension_semantics = [#tpu.dimension_semantics<arbitrary>], iteration_bounds = array<i64: 64>, scalar_prefetch = 0 : i64, scratch_operands = 0 : i64, tpu.core_type = #tpu.core_type<tc>, window_params = [{transform_indices = @transform_0, window_bounds = array<i64: 2560, 128>}, {transform_indices = @transform_1, window_bounds = array<i64: 6656, 128>}, {pipeline_mode = #tpu.pipeline_mode<synchronous>, transform_indices = @transform_2, window_bounds = array<i64: 1, 1>}]} {
    %eq3A = arith.constant 0 : i32
    %eq3A_0 = arith.cmpi eq, %arg0, %eq3A : i32
    %convert_element_type3A = arith.extui %eq3A_0 : i1 to i32
    %cond3A = arith.constant 0 : i32
    %cond3A_1 = arith.cmpi ne, %convert_element_type3A, %cond3A : i32
    scf.if %cond3A_1 {
      %broadcast_in_dim3A = arith.constant 0.000000e+00 : f32
      %broadcast_in_dim3A_131 = vector.broadcast %broadcast_in_dim3A : f32 to vector<1x1xf32>
      %swap3A_132 = arith.constant 0 : index
      %swap3A_133 = arith.constant 0 : index
      %swap3A_134 = vector.load %arg3[%swap3A_132, %swap3A_133] : memref<1x1xf32, #tpu.memory_space<vmem>>, vector<1x1xf32>
      tpu.vector_store %arg3[%swap3A_132, %swap3A_133], %broadcast_in_dim3A_131 {strides = array<i32>} : memref<1x1xf32, #tpu.memory_space<vmem>>, vector<1x1xf32>,
    } else {
    }
    %iota3A = tpu.iota {dimensions = array<i32: 0>} : vector<208x80xi32>
    %iota3A_2 = tpu.iota {dimensions = array<i32: 1>} : vector<208x80xi32>
    %lt3A = arith.constant 104 : i32
    %lt3A_3 = vector.broadcast %lt3A : i32 to vector<208x80xi32>
    %lt3A_4 = arith.cmpi slt, %iota3A, %lt3A_3 : vector<208x80xi32>
    %mul3A = arith.constant 2 : i32
    %mul3A_5 = vector.broadcast %mul3A : i32 to vector<208x80xi32>
    %mul3A_6 = arith.muli %mul3A_5, %iota3A : vector<208x80xi32>
    %sub3A = arith.constant 104 : i32
    %sub3A_7 = vector.broadcast %sub3A : i32 to vector<208x80xi32>
    %sub3A_8 = arith.subi %iota3A, %sub3A_7 : vector<208x80xi32>
    %mul3A_9 = arith.constant 2 : i32
    %mul3A_10 = vector.broadcast %mul3A_9 : i32 to vector<208x80xi32>
    %mul3A_11 = arith.muli %mul3A_10, %sub3A_8 : vector<208x80xi32>
    %add3A = arith.constant 1 : i32
    %add3A_12 = vector.broadcast %add3A : i32 to vector<208x80xi32>
    %add3A_13 = arith.addi %mul3A_11, %add3A_12 : vector<208x80xi32>
    %select_n3A = arith.select %lt3A_4, %mul3A_6, %add3A_13 : vector<208x80xi1>, vector<208x80xi32>
    %lt3A_14 = arith.constant 40 : i32
    %lt3A_15 = vector.broadcast %lt3A_14 : i32 to vector<208x80xi32>
    %lt3A_16 = arith.cmpi slt, %iota3A_2, %lt3A_15 : vector<208x80xi32>
    %mul3A_17 = arith.constant 2 : i32
    %mul3A_18 = vector.broadcast %mul3A_17 : i32 to vector<208x80xi32>
    %mul3A_19 = arith.muli %mul3A_18, %iota3A_2 : vector<208x80xi32>
    %sub3A_20 = arith.constant 40 : i32
    %sub3A_21 = vector.broadcast %sub3A_20 : i32 to vector<208x80xi32>
    %sub3A_22 = arith.subi %iota3A_2, %sub3A_21 : vector<208x80xi32>
    %mul3A_23 = arith.constant 2 : i32
    %mul3A_24 = vector.broadcast %mul3A_23 : i32 to vector<208x80xi32>
    %mul3A_25 = arith.muli %mul3A_24, %sub3A_22 : vector<208x80xi32>
    %add3A_26 = arith.constant 1 : i32
    %add3A_27 = vector.broadcast %add3A_26 : i32 to vector<208x80xi32>
    %add3A_28 = arith.addi %mul3A_25, %add3A_27 : vector<208x80xi32>
    %select_n3A_29 = arith.select %lt3A_16, %mul3A_19, %add3A_28 : vector<208x80xi1>, vector<208x80xi32>
    %jit3A = arith.constant 52 : i32
    %div3A = vector.broadcast %jit3A : i32 to vector<208x80xi32>
    %div3A_30 = arith.divsi %select_n3A, %div3A : vector<208x80xi32>
    %sign3A = arith.constant 0 : i32
    %sign3A_31 = vector.broadcast %sign3A : i32 to vector<208x80xi32>
    %sign3A_32 = arith.cmpi sgt, %select_n3A, %sign3A_31 : vector<208x80xi32>
    %sign3A_33 = arith.extui %sign3A_32 : vector<208x80xi1> to vector<208x80xi32>
    %sign3A_34 = arith.constant 0 : i32
    %sign3A_35 = vector.broadcast %sign3A_34 : i32 to vector<208x80xi32>
    %sign3A_36 = arith.cmpi slt, %select_n3A, %sign3A_35 : vector<208x80xi32>
    %sign3A_37 = arith.extui %sign3A_36 : vector<208x80xi1> to vector<208x80xi32>
    %sign3A_38 = arith.subi %sign3A_33, %sign3A_37 : vector<208x80xi32>
    %sign3A_39 = arith.constant 0 : i32
    %sign3A_40 = arith.cmpi sgt, %jit3A, %sign3A_39 : i32
    %sign3A_41 = arith.extui %sign3A_40 : i1 to i32
    %sign3A_42 = arith.constant 0 : i32
    %sign3A_43 = arith.cmpi slt, %jit3A, %sign3A_42 : i32
    %sign3A_44 = arith.extui %sign3A_43 : i1 to i32
    %sign3A_45 = arith.subi %sign3A_41, %sign3A_44 : i32
    %ne3A = vector.broadcast %sign3A_45 : i32 to vector<208x80xi32>
    %ne3A_46 = arith.cmpi ne, %sign3A_38, %ne3A : vector<208x80xi32>
    %rem3A = vector.broadcast %jit3A : i32 to vector<208x80xi32>
    %rem3A_47 = arith.remsi %select_n3A, %rem3A : vector<208x80xi32>
    %ne3A_48 = arith.constant 0 : i32
    %ne3A_49 = vector.broadcast %ne3A_48 : i32 to vector<208x80xi32>
    %ne3A_50 = arith.cmpi ne, %rem3A_47, %ne3A_49 : vector<208x80xi32>
    %and3A = arith.andi %ne3A_46, %ne3A_50 : vector<208x80xi1>
    %sub3A_51 = arith.constant 1 : i32
    %sub3A_52 = vector.broadcast %sub3A_51 : i32 to vector<208x80xi32>
    %sub3A_53 = arith.subi %div3A_30, %sub3A_52 : vector<208x80xi32>
    %select_n3A_54 = arith.select %and3A, %sub3A_53, %div3A_30 : vector<208x80xi1>, vector<208x80xi32>
    %jit3A_55 = arith.constant 20 : i32
    %div3A_56 = vector.broadcast %jit3A_55 : i32 to vector<208x80xi32>
    %div3A_57 = arith.divsi %select_n3A_29, %div3A_56 : vector<208x80xi32>
    %sign3A_58 = arith.constant 0 : i32
    %sign3A_59 = vector.broadcast %sign3A_58 : i32 to vector<208x80xi32>
    %sign3A_60 = arith.cmpi sgt, %select_n3A_29, %sign3A_59 : vector<208x80xi32>
    %sign3A_61 = arith.extui %sign3A_60 : vector<208x80xi1> to vector<208x80xi32>
    %sign3A_62 = arith.constant 0 : i32
    %sign3A_63 = vector.broadcast %sign3A_62 : i32 to vector<208x80xi32>
    %sign3A_64 = arith.cmpi slt, %select_n3A_29, %sign3A_63 : vector<208x80xi32>
    %sign3A_65 = arith.extui %sign3A_64 : vector<208x80xi1> to vector<208x80xi32>
    %sign3A_66 = arith.subi %sign3A_61, %sign3A_65 : vector<208x80xi32>
    %sign3A_67 = arith.constant 0 : i32
    %sign3A_68 = arith.cmpi sgt, %jit3A_55, %sign3A_67 : i32
    %sign3A_69 = arith.extui %sign3A_68 : i1 to i32
    %sign3A_70 = arith.constant 0 : i32
    %sign3A_71 = arith.cmpi slt, %jit3A_55, %sign3A_70 : i32
    %sign3A_72 = arith.extui %sign3A_71 : i1 to i32
    %sign3A_73 = arith.subi %sign3A_69, %sign3A_72 : i32
    %ne3A_74 = vector.broadcast %sign3A_73 : i32 to vector<208x80xi32>
    %ne3A_75 = arith.cmpi ne, %sign3A_66, %ne3A_74 : vector<208x80xi32>
    %rem3A_76 = vector.broadcast %jit3A_55 : i32 to vector<208x80xi32>
    %rem3A_77 = arith.remsi %select_n3A_29, %rem3A_76 : vector<208x80xi32>
    %ne3A_78 = arith.constant 0 : i32
    %ne3A_79 = vector.broadcast %ne3A_78 : i32 to vector<208x80xi32>
    %ne3A_80 = arith.cmpi ne, %rem3A_77, %ne3A_79 : vector<208x80xi32>
    %and3A_81 = arith.andi %ne3A_75, %ne3A_80 : vector<208x80xi1>
    %sub3A_82 = arith.constant 1 : i32
    %sub3A_83 = vector.broadcast %sub3A_82 : i32 to vector<208x80xi32>
    %sub3A_84 = arith.subi %div3A_57, %sub3A_83 : vector<208x80xi32>
    %select_n3A_85 = arith.select %and3A_81, %sub3A_84, %div3A_57 : vector<208x80xi1>, vector<208x80xi32>
    %eq3A_86 = arith.cmpi eq, %select_n3A_54, %select_n3A_85 : vector<208x80xi32>
    %jit3A_87 = arith.constant 52 : i32
    %eq3A_88 = arith.constant 0 : i32
    %eq3A_89 = arith.cmpi eq, %jit3A_87, %eq3A_88 : i32
    %jit3A_90 = arith.constant 1 : i32
    %select_n3A_91 = arith.select %eq3A_89, %jit3A_90, %jit3A_87 : i32
    %rem3A_92 = vector.broadcast %select_n3A_91 : i32 to vector<208x80xi32>
    %rem3A_93 = arith.remsi %select_n3A, %rem3A_92 : vector<208x80xi32>
    %ne3A_94 = arith.constant 0 : i32
    %ne3A_95 = vector.broadcast %ne3A_94 : i32 to vector<208x80xi32>
    %ne3A_96 = arith.cmpi ne, %rem3A_93, %ne3A_95 : vector<208x80xi32>
    %lt3A_97 = arith.constant 0 : i32
    %lt3A_98 = vector.broadcast %lt3A_97 : i32 to vector<208x80xi32>
    %lt3A_99 = arith.cmpi slt, %rem3A_93, %lt3A_98 : vector<208x80xi32>
    %lt3A_100 = arith.constant 0 : i32
    %lt3A_101 = arith.cmpi slt, %select_n3A_91, %lt3A_100 : i32
    %ne3A_102 = vector.broadcast %lt3A_101 : i1 to vector<208x80xi1>
    %ne3A_103 = vector.broadcast %ne3A_102 : vector<208x80xi1> to vector<208x80xi1>
    %ne3A_104 = arith.xori %lt3A_99, %ne3A_103 : vector<208x80xi1>
    %and3A_105 = arith.andi %ne3A_104, %ne3A_96 : vector<208x80xi1>
    %add3A_106 = vector.broadcast %select_n3A_91 : i32 to vector<208x80xi32>
    %add3A_107 = arith.addi %rem3A_93, %add3A_106 : vector<208x80xi32>
    %select_n3A_108 = arith.select %and3A_105, %add3A_107, %rem3A_93 : vector<208x80xi1>, vector<208x80xi32>
    %ge3A = arith.constant 1 : i32
    %ge3A_109 = vector.broadcast %ge3A : i32 to vector<208x80xi32>
    %ge3A_110 = arith.cmpi sge, %select_n3A_108, %ge3A_109 : vector<208x80xi32>
    %and3A_111 = arith.andi %eq3A_86, %ge3A_110 : vector<208x80xi1>
    %lt3A_112 = arith.constant 51 : i32
    %lt3A_113 = vector.broadcast %lt3A_112 : i32 to vector<208x80xi32>
    %lt3A_114 = arith.cmpi slt, %select_n3A_108, %lt3A_113 : vector<208x80xi32>
    %and3A_115 = arith.andi %and3A_111, %lt3A_114 : vector<208x80xi1>
    %eq3A_116 = arith.constant 0 : i32
    %eq3A_117 = vector.broadcast %eq3A_116 : i32 to vector<208x80xi32>
    %eq3A_118 = arith.cmpi eq, %select_n3A_108, %eq3A_117 : vector<208x80xi32>
    %and3A_119 = arith.andi %eq3A_86, %eq3A_118 : vector<208x80xi1>
    %scan3A = arith.constant 0.000000e+00 : f32
    %scan3A_120 = arith.constant 0 : i32
    %scan3A_121 = arith.constant 16 : i32
    %scan3A_122 = arith.addi %scan3A_120, %scan3A_121 : i32
    %scan3A_123 = arith.constant 1 : i32
    %scan3A_124 = scf.for %scan3A_131 = %scan3A_120 to %scan3A_122 step %scan3A_123 iter_args(%scan3A_132 = %scan3A) -> (f32)  : i32 {
      %mul3A_133 = arith.constant 4 : i32
      %mul3A_134 = arith.muli %scan3A_131, %mul3A_133 : i32
      %add3A_135 = arith.constant 0 : i32
      %add3A_136 = arith.addi %mul3A_134, %add3A_135 : i32
      %mul3A_137 = arith.constant 40 : i32
      %mul3A_138 = arith.muli %add3A_136, %mul3A_137 : i32
      %get3A_139 = arith.index_cast %mul3A_138 : i32 to index
      %get3A_140 = arith.constant 0 : index
      %get3A_141 = vector.load %arg1[%get3A_139, %get3A_140] : memref<2560x128xf32, #tpu.memory_space<vmem>>, vector<40x128xf32>
      %convert_element_type3A_142 = arith.truncf %get3A_141 : vector<40x128xf32> to vector<40x128xbf16>
      %mul3A_143 = arith.constant 104 : i32
      %mul3A_144 = arith.muli %add3A_136, %mul3A_143 : i32
      %get3A_145 = arith.index_cast %mul3A_144 : i32 to index
      %get3A_146 = arith.constant 0 : index
      %get3A_147 = vector.load %arg2[%get3A_145, %get3A_146] : memref<6656x128xf32, #tpu.memory_space<vmem>>, vector<104x128xf32>
      %convert_element_type3A_148 = arith.truncf %get3A_147 : vector<104x128xf32> to vector<104x128xbf16>
      %slice3A = vector.extract_strided_slice %convert_element_type3A_142 {offsets = [0, 0], sizes = [40, 64], strides = [1, 1]} : vector<40x128xbf16> to vector<40x64xbf16>
      %slice3A_149 = vector.extract_strided_slice %convert_element_type3A_142 {offsets = [0, 64], sizes = [40, 64], strides = [1, 1]} : vector<40x128xbf16> to vector<40x64xbf16>
      %concatenate3A = tpu.concatenate %slice3A, %slice3A_149 in 0 : vector<40x64xbf16>, vector<40x64xbf16> -> vector<80x64xbf16>
      %slice3A_150 = vector.extract_strided_slice %convert_element_type3A_148 {offsets = [0, 0], sizes = [104, 64], strides = [1, 1]} : vector<104x128xbf16> to vector<104x64xbf16>
      %slice3A_151 = vector.extract_strided_slice %convert_element_type3A_148 {offsets = [0, 64], sizes = [104, 64], strides = [1, 1]} : vector<104x128xbf16> to vector<104x64xbf16>
      %concatenate3A_152 = tpu.concatenate %slice3A_150, %slice3A_151 in 0 : vector<104x64xbf16>, vector<104x64xbf16> -> vector<208x64xbf16>
      %dot_general3A = arith.constant dense<0.000000e+00> : vector<208x80xf32>
      %dot_general3A_153 = tpu.matmul %concatenate3A_152, %concatenate3A, %dot_general3A {dimension_numbers = #tpu.dot_dimension_numbers<[1], [1], [0], [0], [0, 0, 1, 0], [], []>, transpose_lhs_hint = false} : vector<208x64xbf16>, vector<80x64xbf16>, vector<208x80xf32> -> vector<208x80xf32>
      %jit3A_154 = arith.constant 0.000000e+00 : f32
      %broadcast_in_dim3A = vector.broadcast %jit3A_154 : f32 to vector<208x80xf32>
      %select_n3A_155 = arith.select %and3A_119, %dot_general3A_153, %broadcast_in_dim3A : vector<208x80xi1>, vector<208x80xf32>
      %reduce_sum3A = vector.shape_cast %select_n3A_155 : vector<208x80xf32> to vector<1x208x80xf32>
      %reduce_sum3A_156 = arith.constant dense<0.000000e+00> : vector<1xf32>
      %reduce_sum3A_157 = vector.multi_reduction <add>, %reduce_sum3A, %reduce_sum3A_156 [1, 2] : vector<1x208x80xf32> to vector<1xf32>
      %reduce_sum3A_158 = vector.shape_cast %reduce_sum3A_157 : vector<1xf32> to vector<1x1x1xf32>
      %reduce_sum3A_159 = vector.extract %reduce_sum3A_158[0, 0, 0] : f32 from vector<1x1x1xf32>
      %exp3A = math.exp %dot_general3A_153 : vector<208x80xf32>
      %jit3A_160 = arith.constant 0.000000e+00 : f32
      %broadcast_in_dim3A_161 = vector.broadcast %jit3A_160 : f32 to vector<208x80xf32>
      %select_n3A_162 = arith.select %and3A_115, %exp3A, %broadcast_in_dim3A_161 : vector<208x80xi1>, vector<208x80xf32>
      %reduce_sum3A_163 = arith.constant dense<0.000000e+00> : vector<80xf32>
      %reduce_sum3A_164 = vector.multi_reduction <add>, %select_n3A_162, %reduce_sum3A_163 [0] : vector<208x80xf32> to vector<80xf32>
      %broadcast_in_dim3A_165 = vector.shape_cast %reduce_sum3A_164 : vector<80xf32> to vector<1x80xf32>
      %log3A = math.log %broadcast_in_dim3A_165 : vector<1x80xf32>
      %reduce_sum3A_166 = vector.shape_cast %log3A : vector<1x80xf32> to vector<1x1x80xf32>
      %reduce_sum3A_167 = arith.constant dense<0.000000e+00> : vector<1xf32>
      %reduce_sum3A_168 = vector.multi_reduction <add>, %reduce_sum3A_166, %reduce_sum3A_167 [1, 2] : vector<1x1x80xf32> to vector<1xf32>
      %reduce_sum3A_169 = vector.shape_cast %reduce_sum3A_168 : vector<1xf32> to vector<1x1x1xf32>
      %reduce_sum3A_170 = vector.extract %reduce_sum3A_169[0, 0, 0] : f32 from vector<1x1x1xf32>
      %sub3A_171 = arith.subf %reduce_sum3A_170, %reduce_sum3A_159 : f32
      %mul3A_172 = arith.constant 4 : i32
      %mul3A_173 = arith.muli %scan3A_131, %mul3A_172 : i32
      %add3A_174 = arith.constant 1 : i32
      %add3A_175 = arith.addi %mul3A_173, %add3A_174 : i32
      %mul3A_176 = arith.constant 40 : i32
      %mul3A_177 = arith.muli %add3A_175, %mul3A_176 : i32
      %get3A_178 = arith.index_cast %mul3A_177 : i32 to index
      %get3A_179 = arith.constant 0 : index
      %get3A_180 = vector.load %arg1[%get3A_178, %get3A_179] : memref<2560x128xf32, #tpu.memory_space<vmem>>, vector<40x128xf32>
      %convert_element_type3A_181 = arith.truncf %get3A_180 : vector<40x128xf32> to vector<40x128xbf16>
      %mul3A_182 = arith.constant 104 : i32
      %mul3A_183 = arith.muli %add3A_175, %mul3A_182 : i32
      %get3A_184 = arith.index_cast %mul3A_183 : i32 to index
      %get3A_185 = arith.constant 0 : index
      %get3A_186 = vector.load %arg2[%get3A_184, %get3A_185] : memref<6656x128xf32, #tpu.memory_space<vmem>>, vector<104x128xf32>
      %convert_element_type3A_187 = arith.truncf %get3A_186 : vector<104x128xf32> to vector<104x128xbf16>
      %slice3A_188 = vector.extract_strided_slice %convert_element_type3A_181 {offsets = [0, 0], sizes = [40, 64], strides = [1, 1]} : vector<40x128xbf16> to vector<40x64xbf16>
      %slice3A_189 = vector.extract_strided_slice %convert_element_type3A_181 {offsets = [0, 64], sizes = [40, 64], strides = [1, 1]} : vector<40x128xbf16> to vector<40x64xbf16>
      %concatenate3A_190 = tpu.concatenate %slice3A_188, %slice3A_189 in 0 : vector<40x64xbf16>, vector<40x64xbf16> -> vector<80x64xbf16>
      %slice3A_191 = vector.extract_strided_slice %convert_element_type3A_187 {offsets = [0, 0], sizes = [104, 64], strides = [1, 1]} : vector<104x128xbf16> to vector<104x64xbf16>
      %slice3A_192 = vector.extract_strided_slice %convert_element_type3A_187 {offsets = [0, 64], sizes = [104, 64], strides = [1, 1]} : vector<104x128xbf16> to vector<104x64xbf16>
      %concatenate3A_193 = tpu.concatenate %slice3A_191, %slice3A_192 in 0 : vector<104x64xbf16>, vector<104x64xbf16> -> vector<208x64xbf16>
      %dot_general3A_194 = arith.constant dense<0.000000e+00> : vector<208x80xf32>
      %dot_general3A_195 = tpu.matmul %concatenate3A_193, %concatenate3A_190, %dot_general3A_194 {dimension_numbers = #tpu.dot_dimension_numbers<[1], [1], [0], [0], [0, 0, 1, 0], [], []>, transpose_lhs_hint = false} : vector<208x64xbf16>, vector<80x64xbf16>, vector<208x80xf32> -> vector<208x80xf32>
      %jit3A_196 = arith.constant 0.000000e+00 : f32
      %broadcast_in_dim3A_197 = vector.broadcast %jit3A_196 : f32 to vector<208x80xf32>
      %select_n3A_198 = arith.select %and3A_119, %dot_general3A_195, %broadcast_in_dim3A_197 : vector<208x80xi1>, vector<208x80xf32>
      %reduce_sum3A_199 = vector.shape_cast %select_n3A_198 : vector<208x80xf32> to vector<1x208x80xf32>
      %reduce_sum3A_200 = arith.constant dense<0.000000e+00> : vector<1xf32>
      %reduce_sum3A_201 = vector.multi_reduction <add>, %reduce_sum3A_199, %reduce_sum3A_200 [1, 2] : vector<1x208x80xf32> to vector<1xf32>
      %reduce_sum3A_202 = vector.shape_cast %reduce_sum3A_201 : vector<1xf32> to vector<1x1x1xf32>
      %reduce_sum3A_203 = vector.extract %reduce_sum3A_202[0, 0, 0] : f32 from vector<1x1x1xf32>
      %exp3A_204 = math.exp %dot_general3A_195 : vector<208x80xf32>
      %jit3A_205 = arith.constant 0.000000e+00 : f32
      %broadcast_in_dim3A_206 = vector.broadcast %jit3A_205 : f32 to vector<208x80xf32>
      %select_n3A_207 = arith.select %and3A_115, %exp3A_204, %broadcast_in_dim3A_206 : vector<208x80xi1>, vector<208x80xf32>
      %reduce_sum3A_208 = arith.constant dense<0.000000e+00> : vector<80xf32>
      %reduce_sum3A_209 = vector.multi_reduction <add>, %select_n3A_207, %reduce_sum3A_208 [0] : vector<208x80xf32> to vector<80xf32>
      %broadcast_in_dim3A_210 = vector.shape_cast %reduce_sum3A_209 : vector<80xf32> to vector<1x80xf32>
      %log3A_211 = math.log %broadcast_in_dim3A_210 : vector<1x80xf32>
      %reduce_sum3A_212 = vector.shape_cast %log3A_211 : vector<1x80xf32> to vector<1x1x80xf32>
      %reduce_sum3A_213 = arith.constant dense<0.000000e+00> : vector<1xf32>
      %reduce_sum3A_214 = vector.multi_reduction <add>, %reduce_sum3A_212, %reduce_sum3A_213 [1, 2] : vector<1x1x80xf32> to vector<1xf32>
      %reduce_sum3A_215 = vector.shape_cast %reduce_sum3A_214 : vector<1xf32> to vector<1x1x1xf32>
      %reduce_sum3A_216 = vector.extract %reduce_sum3A_215[0, 0, 0] : f32 from vector<1x1x1xf32>
      %sub3A_217 = arith.subf %reduce_sum3A_216, %reduce_sum3A_203 : f32
      %add3A_218 = arith.addf %sub3A_171, %sub3A_217 : f32
      %mul3A_219 = arith.constant 4 : i32
      %mul3A_220 = arith.muli %scan3A_131, %mul3A_219 : i32
      %add3A_221 = arith.constant 2 : i32
      %add3A_222 = arith.addi %mul3A_220, %add3A_221 : i32
      %mul3A_223 = arith.constant 40 : i32
      %mul3A_224 = arith.muli %add3A_222, %mul3A_223 : i32
      %get3A_225 = arith.index_cast %mul3A_224 : i32 to index
      %get3A_226 = arith.constant 0 : index
      %get3A_227 = vector.load %arg1[%get3A_225, %get3A_226] : memref<2560x128xf32, #tpu.memory_space<vmem>>, vector<40x128xf32>
      %convert_element_type3A_228 = arith.truncf %get3A_227 : vector<40x128xf32> to vector<40x128xbf16>
      %mul3A_229 = arith.constant 104 : i32
      %mul3A_230 = arith.muli %add3A_222, %mul3A_229 : i32
      %get3A_231 = arith.index_cast %mul3A_230 : i32 to index
      %get3A_232 = arith.constant 0 : index
      %get3A_233 = vector.load %arg2[%get3A_231, %get3A_232] : memref<6656x128xf32, #tpu.memory_space<vmem>>, vector<104x128xf32>
      %convert_element_type3A_234 = arith.truncf %get3A_233 : vector<104x128xf32> to vector<104x128xbf16>
      %slice3A_235 = vector.extract_strided_slice %convert_element_type3A_228 {offsets = [0, 0], sizes = [40, 64], strides = [1, 1]} : vector<40x128xbf16> to vector<40x64xbf16>
      %slice3A_236 = vector.extract_strided_slice %convert_element_type3A_228 {offsets = [0, 64], sizes = [40, 64], strides = [1, 1]} : vector<40x128xbf16> to vector<40x64xbf16>
      %concatenate3A_237 = tpu.concatenate %slice3A_235, %slice3A_236 in 0 : vector<40x64xbf16>, vector<40x64xbf16> -> vector<80x64xbf16>
      %slice3A_238 = vector.extract_strided_slice %convert_element_type3A_234 {offsets = [0, 0], sizes = [104, 64], strides = [1, 1]} : vector<104x128xbf16> to vector<104x64xbf16>
      %slice3A_239 = vector.extract_strided_slice %convert_element_type3A_234 {offsets = [0, 64], sizes = [104, 64], strides = [1, 1]} : vector<104x128xbf16> to vector<104x64xbf16>
      %concatenate3A_240 = tpu.concatenate %slice3A_238, %slice3A_239 in 0 : vector<104x64xbf16>, vector<104x64xbf16> -> vector<208x64xbf16>
      %dot_general3A_241 = arith.constant dense<0.000000e+00> : vector<208x80xf32>
      %dot_general3A_242 = tpu.matmul %concatenate3A_240, %concatenate3A_237, %dot_general3A_241 {dimension_numbers = #tpu.dot_dimension_numbers<[1], [1], [0], [0], [0, 0, 1, 0], [], []>, transpose_lhs_hint = false} : vector<208x64xbf16>, vector<80x64xbf16>, vector<208x80xf32> -> vector<208x80xf32>
      %jit3A_243 = arith.constant 0.000000e+00 : f32
      %broadcast_in_dim3A_244 = vector.broadcast %jit3A_243 : f32 to vector<208x80xf32>
      %select_n3A_245 = arith.select %and3A_119, %dot_general3A_242, %broadcast_in_dim3A_244 : vector<208x80xi1>, vector<208x80xf32>
      %reduce_sum3A_246 = vector.shape_cast %select_n3A_245 : vector<208x80xf32> to vector<1x208x80xf32>
      %reduce_sum3A_247 = arith.constant dense<0.000000e+00> : vector<1xf32>
      %reduce_sum3A_248 = vector.multi_reduction <add>, %reduce_sum3A_246, %reduce_sum3A_247 [1, 2] : vector<1x208x80xf32> to vector<1xf32>
      %reduce_sum3A_249 = vector.shape_cast %reduce_sum3A_248 : vector<1xf32> to vector<1x1x1xf32>
      %reduce_sum3A_250 = vector.extract %reduce_sum3A_249[0, 0, 0] : f32 from vector<1x1x1xf32>
      %exp3A_251 = math.exp %dot_general3A_242 : vector<208x80xf32>
      %jit3A_252 = arith.constant 0.000000e+00 : f32
      %broadcast_in_dim3A_253 = vector.broadcast %jit3A_252 : f32 to vector<208x80xf32>
      %select_n3A_254 = arith.select %and3A_115, %exp3A_251, %broadcast_in_dim3A_253 : vector<208x80xi1>, vector<208x80xf32>
      %reduce_sum3A_255 = arith.constant dense<0.000000e+00> : vector<80xf32>
      %reduce_sum3A_256 = vector.multi_reduction <add>, %select_n3A_254, %reduce_sum3A_255 [0] : vector<208x80xf32> to vector<80xf32>
      %broadcast_in_dim3A_257 = vector.shape_cast %reduce_sum3A_256 : vector<80xf32> to vector<1x80xf32>
      %log3A_258 = math.log %broadcast_in_dim3A_257 : vector<1x80xf32>
      %reduce_sum3A_259 = vector.shape_cast %log3A_258 : vector<1x80xf32> to vector<1x1x80xf32>
      %reduce_sum3A_260 = arith.constant dense<0.000000e+00> : vector<1xf32>
      %reduce_sum3A_261 = vector.multi_reduction <add>, %reduce_sum3A_259, %reduce_sum3A_260 [1, 2] : vector<1x1x80xf32> to vector<1xf32>
      %reduce_sum3A_262 = vector.shape_cast %reduce_sum3A_261 : vector<1xf32> to vector<1x1x1xf32>
      %reduce_sum3A_263 = vector.extract %reduce_sum3A_262[0, 0, 0] : f32 from vector<1x1x1xf32>
      %sub3A_264 = arith.subf %reduce_sum3A_263, %reduce_sum3A_250 : f32
      %add3A_265 = arith.addf %add3A_218, %sub3A_264 : f32
      %mul3A_266 = arith.constant 4 : i32
      %mul3A_267 = arith.muli %scan3A_131, %mul3A_266 : i32
      %add3A_268 = arith.constant 3 : i32
      %add3A_269 = arith.addi %mul3A_267, %add3A_268 : i32
      %mul3A_270 = arith.constant 40 : i32
      %mul3A_271 = arith.muli %add3A_269, %mul3A_270 : i32
      %get3A_272 = arith.index_cast %mul3A_271 : i32 to index
      %get3A_273 = arith.constant 0 : index
      %get3A_274 = vector.load %arg1[%get3A_272, %get3A_273] : memref<2560x128xf32, #tpu.memory_space<vmem>>, vector<40x128xf32>
      %convert_element_type3A_275 = arith.truncf %get3A_274 : vector<40x128xf32> to vector<40x128xbf16>
      %mul3A_276 = arith.constant 104 : i32
      %mul3A_277 = arith.muli %add3A_269, %mul3A_276 : i32
      %get3A_278 = arith.index_cast %mul3A_277 : i32 to index
      %get3A_279 = arith.constant 0 : index
      %get3A_280 = vector.load %arg2[%get3A_278, %get3A_279] : memref<6656x128xf32, #tpu.memory_space<vmem>>, vector<104x128xf32>
      %convert_element_type3A_281 = arith.truncf %get3A_280 : vector<104x128xf32> to vector<104x128xbf16>
      %slice3A_282 = vector.extract_strided_slice %convert_element_type3A_275 {offsets = [0, 0], sizes = [40, 64], strides = [1, 1]} : vector<40x128xbf16> to vector<40x64xbf16>
      %slice3A_283 = vector.extract_strided_slice %convert_element_type3A_275 {offsets = [0, 64], sizes = [40, 64], strides = [1, 1]} : vector<40x128xbf16> to vector<40x64xbf16>
      %concatenate3A_284 = tpu.concatenate %slice3A_282, %slice3A_283 in 0 : vector<40x64xbf16>, vector<40x64xbf16> -> vector<80x64xbf16>
      %slice3A_285 = vector.extract_strided_slice %convert_element_type3A_281 {offsets = [0, 0], sizes = [104, 64], strides = [1, 1]} : vector<104x128xbf16> to vector<104x64xbf16>
      %slice3A_286 = vector.extract_strided_slice %convert_element_type3A_281 {offsets = [0, 64], sizes = [104, 64], strides = [1, 1]} : vector<104x128xbf16> to vector<104x64xbf16>
      %concatenate3A_287 = tpu.concatenate %slice3A_285, %slice3A_286 in 0 : vector<104x64xbf16>, vector<104x64xbf16> -> vector<208x64xbf16>
      %dot_general3A_288 = arith.constant dense<0.000000e+00> : vector<208x80xf32>
      %dot_general3A_289 = tpu.matmul %concatenate3A_287, %concatenate3A_284, %dot_general3A_288 {dimension_numbers = #tpu.dot_dimension_numbers<[1], [1], [0], [0], [0, 0, 1, 0], [], []>, transpose_lhs_hint = false} : vector<208x64xbf16>, vector<80x64xbf16>, vector<208x80xf32> -> vector<208x80xf32>
      %jit3A_290 = arith.constant 0.000000e+00 : f32
      %broadcast_in_dim3A_291 = vector.broadcast %jit3A_290 : f32 to vector<208x80xf32>
      %select_n3A_292 = arith.select %and3A_119, %dot_general3A_289, %broadcast_in_dim3A_291 : vector<208x80xi1>, vector<208x80xf32>
      %reduce_sum3A_293 = vector.shape_cast %select_n3A_292 : vector<208x80xf32> to vector<1x208x80xf32>
      %reduce_sum3A_294 = arith.constant dense<0.000000e+00> : vector<1xf32>
      %reduce_sum3A_295 = vector.multi_reduction <add>, %reduce_sum3A_293, %reduce_sum3A_294 [1, 2] : vector<1x208x80xf32> to vector<1xf32>
      %reduce_sum3A_296 = vector.shape_cast %reduce_sum3A_295 : vector<1xf32> to vector<1x1x1xf32>
      %reduce_sum3A_297 = vector.extract %reduce_sum3A_296[0, 0, 0] : f32 from vector<1x1x1xf32>
      %exp3A_298 = math.exp %dot_general3A_289 : vector<208x80xf32>
      %jit3A_299 = arith.constant 0.000000e+00 : f32
      %broadcast_in_dim3A_300 = vector.broadcast %jit3A_299 : f32 to vector<208x80xf32>
      %select_n3A_301 = arith.select %and3A_115, %exp3A_298, %broadcast_in_dim3A_300 : vector<208x80xi1>, vector<208x80xf32>
      %reduce_sum3A_302 = arith.constant dense<0.000000e+00> : vector<80xf32>
      %reduce_sum3A_303 = vector.multi_reduction <add>, %select_n3A_301, %reduce_sum3A_302 [0] : vector<208x80xf32> to vector<80xf32>
      %broadcast_in_dim3A_304 = vector.shape_cast %reduce_sum3A_303 : vector<80xf32> to vector<1x80xf32>
      %log3A_305 = math.log %broadcast_in_dim3A_304 : vector<1x80xf32>
      %reduce_sum3A_306 = vector.shape_cast %log3A_305 : vector<1x80xf32> to vector<1x1x80xf32>
      %reduce_sum3A_307 = arith.constant dense<0.000000e+00> : vector<1xf32>
      %reduce_sum3A_308 = vector.multi_reduction <add>, %reduce_sum3A_306, %reduce_sum3A_307 [1, 2] : vector<1x1x80xf32> to vector<1xf32>
      %reduce_sum3A_309 = vector.shape_cast %reduce_sum3A_308 : vector<1xf32> to vector<1x1x1xf32>
      %reduce_sum3A_310 = vector.extract %reduce_sum3A_309[0, 0, 0] : f32 from vector<1x1x1xf32>
      %sub3A_311 = arith.subf %reduce_sum3A_310, %reduce_sum3A_297 : f32
      %add3A_312 = arith.addf %add3A_265, %sub3A_311 : f32
      %add3A_313 = arith.addf %scan3A_132, %add3A_312 : f32
      scf.yield %add3A_313 : f32
    }
    %scan3A_125 = arith.constant 16 : i32
    %get3A = arith.constant 0 : index
    %get3A_126 = arith.constant 0 : index
    %get3A_127 = vector.load %arg3[%get3A, %get3A_126] : memref<1x1xf32, #tpu.memory_space<vmem>>, vector<1x1xf32>
    %reshape3A = vector.broadcast %scan3A_124 : f32 to vector<1x1xf32>
    %add3A_128 = arith.addf %get3A_127, %reshape3A : vector<1x1xf32>
    %swap3A = arith.constant 0 : index
    %swap3A_129 = arith.constant 0 : index
    %swap3A_130 = vector.load %arg3[%swap3A, %swap3A_129] : memref<1x1xf32, #tpu.memory_space<vmem>>, vector<1x1xf32>
    tpu.vector_store %arg3[%swap3A, %swap3A_129], %add3A_128 {strides = array<i32>} : memref<1x1xf32, #tpu.memory_space<vmem>>, vector<1x1xf32>,
    return
  }
  func.func @transform_0(%arg0: i32) -> (i32, i32) {
    %c0_i32 = arith.constant 0 : i32
    %c0_i32_0 = arith.constant 0 : i32
    return %arg0, %c0_i32 : i32, i32
  }
  func.func @transform_1(%arg0: i32) -> (i32, i32) {
    %c0_i32 = arith.constant 0 : i32
    %c0_i32_0 = arith.constant 0 : i32
    return %arg0, %c0_i32 : i32, i32
  }
  func.func @transform_2(%arg0: i32) -> (i32, i32) {
    %c0_i32 = arith.constant 0 : i32
    %c0_i32_0 = arith.constant 0 : i32
    %c0_i32_1 = arith.constant 0 : i32
    return %c0_i32, %c0_i32_0 : i32, i32
  }
}

</mosaic_0001>

<sc_bundles>
// kernel: kernel.4.cloned.1.call-start
scs
__scs_entry_jumppad:
0x0: {  	(pc) =	sbr.rel $0x88, $3  }
0x1: {  	(tag) =	ssettag $0x0;
	lr =	simm.s32 $0x1  }
0x2: {  	[smem:$0x3F9C] =	sst lr;
	_ =	strace $0xD0000000  }
0x3: {  	_ = 	snop  }
0x4: {  	_ = 	snop  }
0x5: {  	_ = 	snop  }
0x6: {  	_ = 	snop  }
0x7: {  	_ = 	snop  }
__scs_overlays_trampoline_lowered:
0x8: {  	[smem:$0x3FAB] =	sst s0  }
0x9: {  	[smem:$0x3FAC] =	sst s1  }
0xa: {  	[smem:$0x3FAD] =	sst s2  }
0xb: {  	[smem:$0x3FAE] =	sst s3  }
0xc: {  	[smem:$0x3FAF] =	sst s4  }
0xd: {  	[smem:$0x3FB0] =	sst s5  }
0xe: {  	[smem:$0x3FB1] =	sst s6  }
0xf: {  	[smem:$0x3FB2] =	sst s7  }
0x10: {  	[smem:$0x3FB3] =	sst s8  }
0x11: {  	[smem:$0x3FB4] =	sst s9;
	s0 =	simm.s32 @!p0 $0x0  }
0x12: {  	s1 =	sld [smem:$0x3F9A];
	s0 =	simm.s32 @p0 $0x1  }
0x13: {  	[smem:$0x3FB5] =	sst s0;
	s0 =	simm.s32 @!p1 $0x0  }
0x14: {  	s2 =	sld [smem:$0x3F99];
	s0 =	simm.s32 @p1 $0x1  }
0x15: {  	[smem:$0x3FB6] =	sst s0;
	s0 =	simm.s32 @!p2 $0x0  }
0x16: {  	s3 =	sld [smem:$0x3FDB];
	s0 =	simm.s32 @p2 $0x1  }
0x17: {  	s4 =	simm.s32 $0x1BF5;
	[smem:$0x3FB8] =	sst s0  }
0x18: {  	s0 =	sld [smem:$0x3F9B];
	_ =	swait.ge [sflag:s4], $0x0  }
0x19: {  	s7 =	sld [smem:$0x3F9C]  }
0x1a: {  	s8 =	sadd.s32 $0xFFFFE003, lr  }
0x1b: {  	s9 =	sadd.s32 $0xFFFFFEF7, lr;
	s5 =	simm.s32 $0xFFFFFFFF;
	p2 =	slt.u32 s8, $0xFFFFF086  }
0x1c: {  	p1 =	slt.u32 s9, $0xF7A;
	s5 =	simm.s32 @!p2 $0x0  }
0x1d: {  	s5 =	simm.s32 @p1 $0x1;
	p0 =	seq.s32 s7, s2  }
0x1e: {  	s7 =	smul.u32 @!p0 $0xF7A, s2;
	p2 =	seq.s32 @!p0 s5, $0x0  }
0x1f: {  	s9 =	smul.u32 $0xF7A, s1;
	s8 =	simm.s32 @!p0 $0x1BF5;
	p2 =	por !p2, p0  }
0x20: {  	[sflag:s8] =	ssyncset.s32 @!p0 $0xFFFFF086;
	s6 =	sadd.s32 @!p0 s3, s7;
	s7 =	simm.s32 @!p0 $0x108  }
0x21: {  	s3 =	sadd.s32 s3, s9;
	s6 =	sadd.s32 @!p0 $0x88, s6;
	s7 =	simm.s32 @p2 $0x1082  }
0x22: {  	[simem:s7], [sflag:s8] =	dma.local @!p0 [hbm:s6], $0xF7A  }
0x23: {  	s9 =	sor.u32 $0xD0000000, s2;
	s6 =	simm.s32 $0x108;
	_ =	swait.ge @!p0 [sflag:s8], $0x0  }
0x24: {  	s3 =	sadd.s32 $0x88, s3;
	s6 =	simm.s32 @!p1 $0x1082;
	[sflag:s4] =	ssyncset.s32 $0xFFFFF086  }
0x25: {  	[simem:s6], [sflag:s4] =	dma.local [hbm:s3], $0xF7A  }
0x26: {  	[smem:$0x3F9C] =	sst s1;
	(tag) =	ssettag s2;
	_ =	strace s9  }
0x27: {  	s1 =	sld [smem:$0x3FAC]  }
0x28: {  	s2 =	sld [smem:$0x3FAD]  }
0x29: {  	s4 =	sld [smem:$0x3FAF]  }
0x2a: {  	p0 =	seq.s32 s5, $0x0;
	s5 =	sld [smem:$0x3FB0]  }
0x2b: {  	s6 =	sld [smem:$0x3FB1]  }
0x2c: {  	s7 =	sld [smem:$0x3FB2]  }
0x2d: {  	s3 =	simm.s32 $0x108;
	s8 =	sld [smem:$0x3FB3]  }
0x2e: {  	s3 =	simm.s32 @!p0 $0x1082;
	s9 =	sld [smem:$0x3FB4]  }
0x2f: {  	lr =	sadd.s32 s0, s3;
	s0 =	sld [smem:$0x3FAB]  }
0x30: {  	s3 =	sld [smem:$0x3FAE]  }
0x31: {  	[smem:$0x3FB7] =	sst s10  }
0x32: {  	s10 =	sld [smem:$0x3FB5];
	_ =	sdelay $0x3  }
0x33: {  	p0 =	seq.s32 s10, $0x1;
	s10 =	sld [smem:$0x3FB7];
	_ =	sdelay $0x3  }
0x34: {  	[smem:$0x3FB7] =	sst s10  }
0x35: {  	s10 =	sld [smem:$0x3FB6];
	_ =	sdelay $0x3  }
0x36: {  	p1 =	seq.s32 s10, $0x1;
	s10 =	sld [smem:$0x3FB7];
	_ =	sdelay $0x3  }
0x37: {  	[smem:$0x3FB7] =	sst s10  }
0x38: {  	s10 =	sld [smem:$0x3FB8]  }
0x39: {  	_ = 	snop;
	(pc) =	sbr.ind lr, $3  }
0x3a: {  	_ = 	snop  }
0x3b: {  	_ = 	snop  }
0x3c: {  	p2 =	seq.s32 s10, $0x1;
	s10 =	sld [smem:$0x3FB7]  }
0x3d: {  	_ =	shalt  }
0x3e: {  	_ =	shalt  }
0x3f: {  	_ =	shalt  }
0x40: {  	_ =	shalt  }
0x41: {  	_ =	shalt  }
0x42: {  	_ =	shalt  }
0x43: {  	_ =	shalt  }
0x44: {  	_ =	shalt  }
0x45: {  	_ =	shalt  }
0x46: {  	_ =	shalt  }
0x47: {  	_ =	shalt  }
0x48: {  	_ =	shalt  }
0x49: {  	_ =	shalt  }
0x4a: {  	_ =	shalt  }
0x4b: {  	_ =	shalt  }
0x4c: {  	_ =	shalt  }
0x4d: {  	_ =	shalt  }
0x4e: {  	_ =	shalt  }
0x4f: {  	_ =	shalt  }
0x50: {  	_ =	shalt  }
0x51: {  	_ =	shalt  }
0x52: {  	_ =	shalt  }
0x53: {  	_ =	shalt  }
0x54: {  	_ =	shalt  }
0x55: {  	_ =	shalt  }
0x56: {  	_ =	shalt  }
0x57: {  	_ =	shalt  }
0x58: {  	_ =	shalt  }
0x59: {  	_ =	shalt  }
0x5a: {  	_ =	shalt  }
0x5b: {  	_ =	shalt  }
0x5c: {  	_ =	shalt  }
0x5d: {  	_ =	shalt  }
0x5e: {  	_ =	shalt  }
0x5f: {  	_ =	shalt  }
0x60: {  	_ =	shalt  }
0x61: {  	_ =	shalt  }
0x62: {  	_ =	shalt  }
0x63: {  	_ =	shalt  }
0x64: {  	_ =	shalt  }
0x65: {  	_ =	shalt  }
0x66: {  	_ =	shalt  }
0x67: {  	_ =	shalt  }
0x68: {  	_ =	shalt  }
0x69: {  	_ =	shalt  }
0x6a: {  	_ =	shalt  }
0x6b: {  	_ =	shalt  }
0x6c: {  	_ =	shalt  }
0x6d: {  	_ =	shalt  }
0x6e: {  	_ =	shalt  }
0x6f: {  	_ =	shalt  }
0x70: {  	_ =	shalt  }
0x71: {  	_ =	shalt  }
0x72: {  	_ =	shalt  }
0x73: {  	_ =	shalt  }
0x74: {  	_ =	shalt  }
0x75: {  	_ =	shalt  }
0x76: {  	_ =	shalt  }
0x77: {  	_ =	shalt  }
0x78: {  	_ =	shalt  }
0x79: {  	_ =	shalt  }
0x7a: {  	_ =	shalt  }
0x7b: {  	_ =	shalt  }
0x7c: {  	_ =	shalt  }
0x7d: {  	_ =	shalt  }
0x7e: {  	_ =	shalt  }
0x7f: {  	_ =	shalt  }
0x80: {  	_ =	shalt  }
0x81: {  	_ =	shalt  }
0x82: {  	_ =	shalt  }
0x83: {  	_ =	shalt  }
0x84: {  	_ =	shalt  }
0x85: {  	_ =	shalt  }
0x86: {  	_ =	shalt  }
0x87: {  	_ =	shalt  }
.Lfunc_end0:
.L_simem_size_0:
called_computation_lowered:
.L_overlay_start_0:
0x88: {  	s2 =	sld [smem:$0x3FD9]  }
0x89: {  	s3 =	sld [smem:$0x3FFE];
	_ =	sdelay $0x1  }
0x8a: {  	s1 =	srdreg.scid  }
0x8b: {  	s0 =	sand.u32 $0x1, s1  }
0x8c: {  	s16 =	sshll.u32 s0, $0xA;
	s2 =	sadd.s32 s3, s2  }
0x8d: {  	s2 =	sadd.s32 s2, s16  }
0x8e: {  	[smem:$0x3FC3] =	sst s2  }
0x8f: {  	_ = 	snop  }
0x90: {  	(tm) =	ssettm $0x1  }
0x91: {  	s17 =	sld [smem:$0x3FFB];
	_ =	sdelay $0x3  }
0x92: {  	_ =	strace s17  }
0x93: {  	s2 =	sld [smem:$0x3FFC];
	_ =	sdelay $0x3  }
0x94: {  	_ =	strace s2  }
0x95: {  	s2 =	sld [smem:$0x3FFD];
	_ =	sdelay $0x3  }
0x96: {  	_ =	strace s2  }
0x97: {  	_ =	strace $0x8FFFFFFF  }
0x98: {  	s18 =	sld [smem:$0x3FDB];
	_ =	sdelay $0x1  }
0x99: {  	s19 =	simm.s32 $_scs_section_size  }
0x9a: {  	s4 =	simm.s32 $_size__tile_overlayer_lowered;
	s5 =	simm.s32 $_tile_overlayer_lowered  }
0x9b: {  	s22 =	simm.s32 $0x1BFF;
	s21 =	sshll.u32 s5, $0x1;
	s2 =	sadd.s32 s19, s18  }
0x9c: {  	s6 =	simm.s32 $0x0;
	s20 =	sshll.u32 s4, $0x1;
	s4 =	sadd.s32 s21, s2  }
0x9d: {  	[timem:s6], [sflag:s22] =	dma.local [hbm:s4], s20  }
0x9e: {  	_ =	swait.ge [sflag:s22], s20  }
0x9f: {  	s3 =	ssub.s32 $0x0, s20;
	[sflag:s22] =	ssyncset.done $0x0  }
0xa0: {  	[sflag:s22] =	ssyncadd.s32 s3;
	_ =	sdelay $0x1  }
0xa1: {  	s23 =	simm.s32 $0x1B8B  }
0xa2: {  	_ =	swait.ge [sflag:s23], $0x1  }
0xa3: {  	[sflag:s23] =	ssyncset.done $0x0  }
0xa4: {  	s25 =	simm.s32 $0x1B8E;
	s24 =	sld [smem:$0x3FFE];
	[sflag:s23] =	ssyncadd.s32 $0xFFFFFFFF  }
0xa5: {  	s26 =	simm.s32 $execute0_lowered;
	[smem:$0x3FD2] =	sst s25  }
0xa6: {  	s4 =	sshll.u32 s26, $0x1;
	_ =	strace $0x80000046;
	[dreg:$0x1] =	wrdreg $0xFFFFFFFF  }
0xa7: {  	s28 =	simm.s32 $_size_execute0_lowered;
	s2 =	sadd.s32 s2, s4;
	[dreg:$0x0] =	wrdreg $0x0  }
0xa8: {  	s4 =	sshll.u32 s28, $0x1;
	[dreg:$0x2] =	wrdreg s2  }
0xa9: {  	[dreg:$0x3] =	wrdreg s4  }
0xaa: {  	[dreg:$0x4] =	wrdreg $0xC0  }
0xab: {  	_ =	task [dreg:s6], $0x5FFFF  }
0xac: {  	[dreg:$0x1] =	wrdreg $0xFFFFFFFF  }
0xad: {  	[dreg:$0x0] =	wrdreg $0x60  }
0xae: {  	[dreg:$0x2] =	wrdreg s24  }
0xaf: {  	[dreg:$0x3] =	wrdreg $0x9  }
0xb0: {  	_ =	task.clear_ibuf [dreg:s6], $0x4FFFF;
	_ =	strace $0x90000046  }
0xb1: {  	s29 =	simm.s32 $0x9;
	_ =	strace $0x80000048  }
0xb2: {  	_ =	swait.ge [sflag:s29], $0x1  }
0xb3: {  	[sflag:s29] =	ssyncadd.s32 $0xFFFFFFFF  }
0xb4: {  	_ =	strace $0x90000048  }
0xb5: {  	_ =	sfence  }
0xb6: {  	s30 =	sld [smem:$0x0];
	_ =	sdelay $0x2  }
0xb7: {  	s31 =	sshll.u32 s1, $0xD;
	s1 =	sshrl.u32 s1, $0x2  }
0xb8: {  	s3 =	sand.u32 $0x4000, s31;
	s1 =	sadd.s32 s1, s30  }
0xb9: {  	s0 =	sor.u32 s3, s0;
	s1 =	sshll.u32 s1, $0x11  }
0xba: {  	s0 =	sor.u32 s1, s0  }
0xbb: {  	s0 =	sadd.s32 $0x8F2B, s0  }
0xbc: {  	[sflag:s0] =	ssyncadd.remote.s32 $0x1  }
0xbd: {  	_ =	sfence.sel $0xFFFF  }
0xbe: {  	[dreg:$0x0] =	wrdreg $0xFFFFFFFF;
	(pc) =	sbr.abs _section_cstart, $3  }
0xbf: {  	[dreg:$0x1] =	wrdreg $0xFFFFFFFF  }
0xc0: {  	_ =	task.clear_ibuf [dreg:s6], $0x2FFFF;
	_ =	strace $0x9FFFFFFF  }
0xc1: {  	(tm) =	ssettm $0x7FFFFFFF  }
tec
execute0_lowered:
.L_overlay_start_1:
0x0: {  	(tag) =	ssettag $0x1  }
0x1: {  	s0 =	srdreg.scid  }
0x2: {  	s14 =	stileid.u32;
	s6 =	rddreg [dreg:$0x0]  }
0x3: {  	s2 =	simm.s32 $0x0;
	s28 =	simm.s32 $0x7;
	s29 =	simm.s32 $0x8  }
0x4: {  	s30 =	simm.s32 $0x0;
	s0 =	sand.u32 $0x1, s0;
	s7 =	smul.u32 $0x5000, s14  }
0x5: {  	s1 =	sshll.u32 s14, $0x1;
	[smem:$0x7FF] =	sst s2;
	s25 =	smul.u32 $0x68000, s14  }
0x6: {  	s4 =	sadd.s32 $0x270600, s6;
	s1 =	sor.u32 s0, s1;
	s8 =	smul.u32 $0x2800, s0  }
0x7: {  	s3 =	sadd.s32 $0x1AD000, s6;
	_ =	strace $0x80000047;
	s5 =	smul.u32 $0x2800, s1  }
0x8: {  	s18 =	ssub.s32 $0x2, s0;
	s1 =	smul.u32 $0x6800, s1;
	s7 =	sadd.s32 s8, s7  }
0x9: {  	s20 =	sshrl.u32 s18, $0x1;
	s5 =	sshrl.u32 s5, $0x3;
	s7 =	sshll.u32 s7, $0x3  }
0xa: {  	s1 =	sshrl.u32 s1, $0x3;
	s31 =	sadd.s32 s5, s6;
	s9 =	sor.u32 $0x1800, s7  }
0xb: {  	s1 =	sadd.s32 s1, s6;
	s10 =	sor.u32 $0x1400, s7;
	[dreg:$0x2] =	wrdreg s9  }
0xc: {  	s5 =	sadd.s32 $0x333C00, s6;
	s11 =	sor.u32 $0x1000, s7;
	[dreg:$0x3] =	wrdreg s10  }
0xd: {  	s6 =	sadd.s32 $0x5B3C00, s6;
	s12 =	sor.u32 $0xC00, s7;
	[dreg:$0x4] =	wrdreg s11  }
0xe: {  	s13 =	sor.u32 $0x800, s7;
	s10 =	smul.u32 $0x28000, s14;
	[dreg:$0x5] =	wrdreg s12  }
0xf: {  	s15 =	sor.u32 $0x400, s7;
	s11 =	smul.u32 $0xD000, s14;
	[dreg:$0x6] =	wrdreg s13  }
0x10: {  	s7 =	sor.u32 $0x1C00, s7;
	s12 =	smul.u32 $0x6800, s0;
	[dreg:$0x7] =	wrdreg s15  }
0x11: {  	s13 =	smul.u32 $0x14000, s0;
	[dreg:$0x8] =	wrdreg s7;
	s8 =	sadd.s32 $0x1C600, s31  }
0x12: {  	s0 =	smul.u32 $0x34000, s0;
	s1 =	sadd.s32 $0x2600, s1;
	[dreg:$0x12] =	wrdreg s8  }
0x13: {  	s14 =	simm.s32 $0xB000;
	s15 =	simm.s32 $0xD000;
	[dreg:$0x13] =	wrdreg s1  }
0x14: {  	s16 =	sadd.s32 s12, s11;
	s17 =	sadd.s32 s13, s10;
	s10 =	ssub.s32 s18, s20  }
0x15: {  	s0 =	sadd.s32 s0, s25;
	s9 =	sshll.u32 s16, $0x3;
	[dreg:$0x9] =	wrdreg s17  }
0x16: {  	s12 =	simm.s32 $0x80;
	[dreg:$0x11] =	wrdreg s0;
	s19 =	sor.u32 $0x1800, s9  }
0x17: {  	s13 =	simm.s32 $0x9000;
	s21 =	sor.u32 $0x1400, s9;
	[dreg:$0xa] =	wrdreg s19  }
0x18: {  	s18 =	simm.s32 $0x13000;
	s22 =	sor.u32 $0x1000, s9;
	[dreg:$0xb] =	wrdreg s21  }
0x19: {  	s20 =	simm.s32 $0x17000;
	s23 =	sor.u32 $0xC00, s9;
	[dreg:$0xc] =	wrdreg s22  }
0x1a: {  	s25 =	simm.s32 $0x5;
	s24 =	sor.u32 $0x800, s9;
	[dreg:$0xd] =	wrdreg s23  }
0x1b: {  	s16 =	simm.s32 $0xF000;
	s26 =	sor.u32 $0x400, s9;
	[dreg:$0xe] =	wrdreg s24  }
0x1c: {  	s17 =	simm.s32 $0x11000;
	s31 =	sor.u32 $0x1C00, s9;
	[dreg:$0xf] =	wrdreg s26  }
0x1d: {  	s9 =	smax.u32 s10, $0x1;
	s10 =	simm.s32 $0x9;
	[dreg:$0x10] =	wrdreg s31  }
0x1e: {  	s19 =	simm.s32 $0x15000;
	s21 =	simm.s32 $0x1;
	s22 =	simm.s32 $0x2  }
0x1f: {  	s23 =	simm.s32 $0x3;
	s24 =	simm.s32 $0x4;
	s26 =	simm.s32 $0x6  }
.LBB2_1:
0x20: {  	s0 =	rddreg [dreg:$0x12]  }
0x21: {  	[tilespmem:s2], [sflag:$0x9] =	stream.linear.gather [hbm4b:s0+s2], $0x2800, $0x38;
	[tilespmem:$0x19000] =	vst v63  }
0x22: {  	_ =	swait.ge [sflag:s10], $0x2800  }
0x23: {  	[sflag:s10] =	ssyncset.done $0x0  }
0x24: {  	s1 =	simm.s32 $0x2800;
	s11 =	rddreg [dreg:$0x13];
	[sflag:s10] =	ssyncadd.s32 $0xFFFFD800  }
0x25: {  	[tilespmem:s1], [sflag:$0x9] =	stream.linear.gather [hbm4b:s11+s2], $0x6800, $0x38;
	[tilespmem:$0x19000] =	vst v63  }
0x26: {  	_ =	swait.ge [sflag:s10], $0x6800  }
0x27: {  	[sflag:s10] =	ssyncset.done $0x0  }
0x28: {  	s1 =	simm.s32 $0x0;
	[sflag:s10] =	ssyncadd.s32 $0xFFFF9800  }
0x29: {  	[tilespmem:s13], [sflag:$0x1] =	stream.indirect.gather [hbm4b:s3+s12], $0x40, s1, s12, $0xb8;
	[tilespmem:$0x19000] =	vst v63  }
0x2a: {  	s7 =	simm.s32 $0x80  }
0x2b: {  	[tilespmem:s14], [sflag:$0x2] =	stream.indirect.gather [hbm4b:s3+s12], $0x40, s7, s12, $0xb8;
	[tilespmem:$0x19000] =	vst v63  }
0x2c: {  	s8 =	simm.s32 $0x100  }
0x2d: {  	[tilespmem:s15], [sflag:$0x3] =	stream.indirect.gather [hbm4b:s3+s12], $0x40, s8, s12, $0xb8;
	[tilespmem:$0x19000] =	vst v63  }
0x2e: {  	s11 =	simm.s32 $0x180  }
0x2f: {  	[tilespmem:s16], [sflag:$0x4] =	stream.indirect.gather [hbm4b:s3+s12], $0x40, s11, s12, $0xb8;
	[tilespmem:$0x19000] =	vst v63  }
0x30: {  	s1 =	simm.s32 $0x200  }
0x31: {  	[tilespmem:s17], [sflag:$0x5] =	stream.indirect.gather [hbm4b:s3+s12], $0x40, s1, s12, $0xb8;
	[tilespmem:$0x19000] =	vst v63  }
0x32: {  	s7 =	simm.s32 $0x280  }
0x33: {  	[tilespmem:s18], [sflag:$0x6] =	stream.indirect.gather [hbm4b:s3+s12], $0x40, s7, s12, $0xb8;
	[tilespmem:$0x19000] =	vst v63  }
0x34: {  	s8 =	simm.s32 $0x300  }
0x35: {  	[tilespmem:s19], [sflag:$0x7] =	stream.indirect.gather [hbm4b:s3+s12], $0x40, s8, s12, $0xb8;
	[tilespmem:$0x19000] =	vst v63  }
0x36: {  	s11 =	simm.s32 $0x380  }
0x37: {  	[tilespmem:s20], [sflag:$0x8] =	stream.indirect.gather [hbm4b:s3+s12], $0x40, s11, s12, $0xb8;
	[tilespmem:$0x19000] =	vst v63  }
0x38: {  	_ =	swait.ge [sflag:s21], $0x2000  }
0x39: {  	s1 =	rddreg [dreg:$0x9];
	[sflag:s21] =	ssyncset.done $0x0  }
0x3a: {  	[sflag:s21] =	ssyncadd.s32 $0xFFFFE000;
	s0 =	sadd.s32 s5, s1  }
0x3b: {  	[hbm4b:s0+s2] =	stream.linear.scatter [tilespmem:s13], [sflag:$0x9], $0x2000, $0x38;
	[tilespmem:$0x19000] =	vst v63  }
0x3c: {  	_ =	swait.ge [sflag:s10], $0x2000  }
0x3d: {  	[sflag:s10] =	ssyncset.done $0x0  }
0x3e: {  	[sflag:s10] =	ssyncadd.s32 $0xFFFFE000  }
0x3f: {  	_ =	swait.ge [sflag:s22], $0x2000  }
0x40: {  	s7 =	rddreg [dreg:$0x7];
	[sflag:s22] =	ssyncset.done $0x0  }
0x41: {  	[sflag:s22] =	ssyncadd.s32 $0xFFFFE000;
	s0 =	sadd.s32 s5, s7  }
0x42: {  	[hbm4b:s0+s2] =	stream.linear.scatter [tilespmem:s14], [sflag:$0x9], $0x2000, $0x38;
	[tilespmem:$0x19000] =	vst v63  }
0x43: {  	_ =	swait.ge [sflag:s10], $0x2000  }
0x44: {  	[sflag:s10] =	ssyncset.done $0x0  }
0x45: {  	[sflag:s10] =	ssyncadd.s32 $0xFFFFE000  }
0x46: {  	_ =	swait.ge [sflag:s23], $0x2000  }
0x47: {  	s8 =	rddreg [dreg:$0x6];
	[sflag:s23] =	ssyncset.done $0x0  }
0x48: {  	[sflag:s23] =	ssyncadd.s32 $0xFFFFE000;
	s0 =	sadd.s32 s5, s8  }
0x49: {  	[hbm4b:s0+s2] =	stream.linear.scatter [tilespmem:s15], [sflag:$0x9], $0x2000, $0x38;
	[tilespmem:$0x19000] =	vst v63  }
0x4a: {  	_ =	swait.ge [sflag:s10], $0x2000  }
0x4b: {  	[sflag:s10] =	ssyncset.done $0x0  }
0x4c: {  	[sflag:s10] =	ssyncadd.s32 $0xFFFFE000  }
0x4d: {  	_ =	swait.ge [sflag:s24], $0x2000  }
0x4e: {  	s11 =	rddreg [dreg:$0x5];
	[sflag:s24] =	ssyncset.done $0x0  }
0x4f: {  	[sflag:s24] =	ssyncadd.s32 $0xFFFFE000;
	s0 =	sadd.s32 s5, s11  }
0x50: {  	[hbm4b:s0+s2] =	stream.linear.scatter [tilespmem:s16], [sflag:$0x9], $0x2000, $0x38;
	[tilespmem:$0x19000] =	vst v63  }
0x51: {  	_ =	swait.ge [sflag:s10], $0x2000  }
0x52: {  	[sflag:s10] =	ssyncset.done $0x0  }
0x53: {  	[sflag:s10] =	ssyncadd.s32 $0xFFFFE000  }
0x54: {  	_ =	swait.ge [sflag:s25], $0x2000  }
0x55: {  	s1 =	rddreg [dreg:$0x4];
	[sflag:s25] =	ssyncset.done $0x0  }
0x56: {  	[sflag:s25] =	ssyncadd.s32 $0xFFFFE000;
	s0 =	sadd.s32 s5, s1  }
0x57: {  	[hbm4b:s0+s2] =	stream.linear.scatter [tilespmem:s17], [sflag:$0x9], $0x2000, $0x38;
	[tilespmem:$0x19000] =	vst v63  }
0x58: {  	_ =	swait.ge [sflag:s10], $0x2000  }
0x59: {  	[sflag:s10] =	ssyncset.done $0x0  }
0x5a: {  	[sflag:s10] =	ssyncadd.s32 $0xFFFFE000  }
0x5b: {  	_ =	swait.ge [sflag:s26], $0x2000  }
0x5c: {  	s7 =	rddreg [dreg:$0x3];
	[sflag:s26] =	ssyncset.done $0x0  }
0x5d: {  	[sflag:s26] =	ssyncadd.s32 $0xFFFFE000;
	s0 =	sadd.s32 s5, s7  }
0x5e: {  	[hbm4b:s0+s2] =	stream.linear.scatter [tilespmem:s18], [sflag:$0x9], $0x2000, $0x38;
	[tilespmem:$0x19000] =	vst v63  }
0x5f: {  	_ =	swait.ge [sflag:s10], $0x2000  }
0x60: {  	[sflag:s10] =	ssyncset.done $0x0  }
0x61: {  	[sflag:s10] =	ssyncadd.s32 $0xFFFFE000  }
0x62: {  	_ =	swait.ge [sflag:s28], $0x2000  }
0x63: {  	s8 =	rddreg [dreg:$0x2];
	[sflag:s28] =	ssyncset.done $0x0  }
0x64: {  	[sflag:s28] =	ssyncadd.s32 $0xFFFFE000;
	s0 =	sadd.s32 s5, s8  }
0x65: {  	[hbm4b:s0+s2] =	stream.linear.scatter [tilespmem:s19], [sflag:$0x9], $0x2000, $0x38;
	[tilespmem:$0x19000] =	vst v63  }
0x66: {  	_ =	swait.ge [sflag:s10], $0x2000  }
0x67: {  	[sflag:s10] =	ssyncset.done $0x0  }
0x68: {  	[sflag:s10] =	ssyncadd.s32 $0xFFFFE000  }
0x69: {  	_ =	swait.ge [sflag:s29], $0x2000  }
0x6a: {  	s11 =	rddreg [dreg:$0x8];
	[sflag:s29] =	ssyncset.done $0x0  }
0x6b: {  	[sflag:s29] =	ssyncadd.s32 $0xFFFFE000;
	s0 =	sadd.s32 s5, s11  }
0x6c: {  	[hbm4b:s0+s2] =	stream.linear.scatter [tilespmem:s20], [sflag:$0x9], $0x2000, $0x38;
	[tilespmem:$0x19000] =	vst v63  }
0x6d: {  	s31 =	sadd.s32 $0x2000, s5;
	_ =	swait.ge [sflag:s10], $0x2000  }
0x6e: {  	s7 =	simm.s32 $0x2000;
	s0 =	simm.s32 $0x1000;
	[sflag:s10] =	ssyncset.done $0x0  }
.LBB2_2:
0x6f: {  	s1 =	sshra.s32 s0, $0x2;
	[sflag:s10] =	ssyncadd.s32 $0xFFFFE000  }
0x70: {  	[tilespmem:s13], [sflag:$0x1] =	stream.indirect.gather [hbm4b:s3+s12], $0x40, s1, s12, $0xb8;
	[tilespmem:$0x19000] =	vst v63  }
0x71: {  	s8 =	sadd.s32 $0x80, s1  }
0x72: {  	[tilespmem:s14], [sflag:$0x2] =	stream.indirect.gather [hbm4b:s3+s12], $0x40, s8, s12, $0xb8;
	[tilespmem:$0x19000] =	vst v63  }
0x73: {  	s8 =	sadd.s32 $0x100, s1  }
0x74: {  	[tilespmem:s15], [sflag:$0x3] =	stream.indirect.gather [hbm4b:s3+s12], $0x40, s8, s12, $0xb8;
	[tilespmem:$0x19000] =	vst v63  }
0x75: {  	s8 =	sadd.s32 $0x180, s1  }
0x76: {  	[tilespmem:s16], [sflag:$0x4] =	stream.indirect.gather [hbm4b:s3+s12], $0x40, s8, s12, $0xb8;
	[tilespmem:$0x19000] =	vst v63  }
0x77: {  	s8 =	sadd.s32 $0x200, s1  }
0x78: {  	[tilespmem:s17], [sflag:$0x5] =	stream.indirect.gather [hbm4b:s3+s12], $0x40, s8, s12, $0xb8;
	[tilespmem:$0x19000] =	vst v63  }
0x79: {  	s8 =	sadd.s32 $0x280, s1  }
0x7a: {  	[tilespmem:s18], [sflag:$0x6] =	stream.indirect.gather [hbm4b:s3+s12], $0x40, s8, s12, $0xb8;
	[tilespmem:$0x19000] =	vst v63  }
0x7b: {  	s8 =	sadd.s32 $0x300, s1  }
0x7c: {  	[tilespmem:s19], [sflag:$0x7] =	stream.indirect.gather [hbm4b:s3+s12], $0x40, s8, s12, $0xb8;
	[tilespmem:$0x19000] =	vst v63  }
0x7d: {  	s1 =	sadd.s32 $0x380, s1  }
0x7e: {  	[tilespmem:s20], [sflag:$0x8] =	stream.indirect.gather [hbm4b:s3+s12], $0x40, s1, s12, $0xb8;
	[tilespmem:$0x19000] =	vst v63  }
0x7f: {  	s0 =	smov.u32 s7;
	s11 =	sadd.s32 $0x1000, s7;
	_ =	swait.ge [sflag:s21], $0x2000  }
0x80: {  	p0 =	sne.s32 s7, $0x9000;
	s7 =	rddreg [dreg:$0x9];
	[sflag:s21] =	ssyncset.done $0x0  }
0x81: {  	s1 =	simm.s32 $0x0;
	[sflag:s21] =	ssyncadd.s32 $0xFFFFE000;
	s8 =	sadd.s32 s31, s7  }
0x82: {  	[hbm4b:s8+s1] =	stream.linear.scatter [tilespmem:s13], [sflag:$0x9], $0x2000, $0x38;
	[tilespmem:$0x19000] =	vst v63  }
0x83: {  	_ =	swait.ge [sflag:s10], $0x2000  }
0x84: {  	[sflag:s10] =	ssyncset.done $0x0  }
0x85: {  	[sflag:s10] =	ssyncadd.s32 $0xFFFFE000  }
0x86: {  	_ =	swait.ge [sflag:s22], $0x2000  }
0x87: {  	s8 =	rddreg [dreg:$0x7];
	[sflag:s22] =	ssyncset.done $0x0  }
0x88: {  	[sflag:s22] =	ssyncadd.s32 $0xFFFFE000;
	s7 =	sadd.s32 s31, s8  }
0x89: {  	[hbm4b:s7+s1] =	stream.linear.scatter [tilespmem:s14], [sflag:$0x9], $0x2000, $0x38;
	[tilespmem:$0x19000] =	vst v63  }
0x8a: {  	_ =	swait.ge [sflag:s10], $0x2000  }
0x8b: {  	[sflag:s10] =	ssyncset.done $0x0  }
0x8c: {  	[sflag:s10] =	ssyncadd.s32 $0xFFFFE000  }
0x8d: {  	_ =	swait.ge [sflag:s23], $0x2000  }
0x8e: {  	s8 =	rddreg [dreg:$0x6];
	[sflag:s23] =	ssyncset.done $0x0  }
0x8f: {  	[sflag:s23] =	ssyncadd.s32 $0xFFFFE000;
	s7 =	sadd.s32 s31, s8  }
0x90: {  	[hbm4b:s7+s1] =	stream.linear.scatter [tilespmem:s15], [sflag:$0x9], $0x2000, $0x38;
	[tilespmem:$0x19000] =	vst v63  }
0x91: {  	_ =	swait.ge [sflag:s10], $0x2000  }
0x92: {  	[sflag:s10] =	ssyncset.done $0x0  }
0x93: {  	[sflag:s10] =	ssyncadd.s32 $0xFFFFE000  }
0x94: {  	_ =	swait.ge [sflag:s24], $0x2000  }
0x95: {  	s8 =	rddreg [dreg:$0x5];
	[sflag:s24] =	ssyncset.done $0x0  }
0x96: {  	[sflag:s24] =	ssyncadd.s32 $0xFFFFE000;
	s7 =	sadd.s32 s31, s8  }
0x97: {  	[hbm4b:s7+s1] =	stream.linear.scatter [tilespmem:s16], [sflag:$0x9], $0x2000, $0x38;
	[tilespmem:$0x19000] =	vst v63  }
0x98: {  	_ =	swait.ge [sflag:s10], $0x2000  }
0x99: {  	[sflag:s10] =	ssyncset.done $0x0  }
0x9a: {  	[sflag:s10] =	ssyncadd.s32 $0xFFFFE000  }
0x9b: {  	_ =	swait.ge [sflag:s25], $0x2000  }
0x9c: {  	s8 =	rddreg [dreg:$0x4];
	[sflag:s25] =	ssyncset.done $0x0  }
0x9d: {  	[sflag:s25] =	ssyncadd.s32 $0xFFFFE000;
	s7 =	sadd.s32 s31, s8  }
0x9e: {  	[hbm4b:s7+s1] =	stream.linear.scatter [tilespmem:s17], [sflag:$0x9], $0x2000, $0x38;
	[tilespmem:$0x19000] =	vst v63  }
0x9f: {  	_ =	swait.ge [sflag:s10], $0x2000  }
0xa0: {  	[sflag:s10] =	ssyncset.done $0x0  }
0xa1: {  	[sflag:s10] =	ssyncadd.s32 $0xFFFFE000  }
0xa2: {  	_ =	swait.ge [sflag:s26], $0x2000  }
0xa3: {  	s8 =	rddreg [dreg:$0x3];
	[sflag:s26] =	ssyncset.done $0x0  }
0xa4: {  	[sflag:s26] =	ssyncadd.s32 $0xFFFFE000;
	s7 =	sadd.s32 s31, s8  }
0xa5: {  	[hbm4b:s7+s1] =	stream.linear.scatter [tilespmem:s18], [sflag:$0x9], $0x2000, $0x38;
	[tilespmem:$0x19000] =	vst v63  }
0xa6: {  	_ =	swait.ge [sflag:s10], $0x2000  }
0xa7: {  	[sflag:s10] =	ssyncset.done $0x0  }
0xa8: {  	[sflag:s10] =	ssyncadd.s32 $0xFFFFE000  }
0xa9: {  	_ =	swait.ge [sflag:s28], $0x2000  }
0xaa: {  	s8 =	rddreg [dreg:$0x2];
	[sflag:s28] =	ssyncset.done $0x0  }
0xab: {  	[sflag:s28] =	ssyncadd.s32 $0xFFFFE000;
	s7 =	sadd.s32 s31, s8  }
0xac: {  	[hbm4b:s7+s1] =	stream.linear.scatter [tilespmem:s19], [sflag:$0x9], $0x2000, $0x38;
	[tilespmem:$0x19000] =	vst v63  }
0xad: {  	_ =	swait.ge [sflag:s10], $0x2000  }
0xae: {  	[sflag:s10] =	ssyncset.done $0x0  }
0xaf: {  	[sflag:s10] =	ssyncadd.s32 $0xFFFFE000  }
0xb0: {  	_ =	swait.ge [sflag:s29], $0x2000  }
.Ltmp0:
0xb1: {  	s8 =	rddreg [dreg:$0x8];
	[sflag:s29] =	ssyncset.done $0x0;
	(pc) =	sbr.rel @p0 .LBB2_2-.Ltmp0, $4  }
0xb2: {  	[sflag:s29] =	ssyncadd.s32 $0xFFFFE000;
	s7 =	sadd.s32 s31, s8  }
0xb3: {  	[hbm4b:s7+s1] =	stream.linear.scatter [tilespmem:s20], [sflag:$0x9], $0x2000, $0x38;
	[tilespmem:$0x19000] =	vst v63  }
0xb4: {  	_ =	swait.ge [sflag:s10], $0x2000  }
0xb5: {  	s31 =	sadd.s32 $0x2000, s31;
	s7 =	smov.u32 s11;
	[sflag:s10] =	ssyncset.done $0x0  }
0xb6: {  	s0 =	sshra.s32 s0, $0x2;
	[sflag:s10] =	ssyncadd.s32 $0xFFFFE000  }
0xb7: {  	[tilespmem:s13], [sflag:$0x1] =	stream.indirect.gather [hbm4b:s3+s12], $0x40, s0, s12, $0xb8;
	[tilespmem:$0x19000] =	vst v63  }
0xb8: {  	s7 =	sadd.s32 $0x80, s0  }
0xb9: {  	[tilespmem:s14], [sflag:$0x2] =	stream.indirect.gather [hbm4b:s3+s12], $0x40, s7, s12, $0xb8;
	[tilespmem:$0x19000] =	vst v63  }
0xba: {  	s11 =	sadd.s32 $0x100, s0  }
0xbb: {  	[tilespmem:s15], [sflag:$0x3] =	stream.indirect.gather [hbm4b:s3+s12], $0x40, s11, s12, $0xb8;
	[tilespmem:$0x19000] =	vst v63  }
0xbc: {  	s8 =	sadd.s32 $0x180, s0  }
0xbd: {  	[tilespmem:s16], [sflag:$0x4] =	stream.indirect.gather [hbm4b:s3+s12], $0x40, s8, s12, $0xb8;
	[tilespmem:$0x19000] =	vst v63  }
0xbe: {  	s11 =	sadd.s32 $0x200, s0  }
0xbf: {  	[tilespmem:s17], [sflag:$0x5] =	stream.indirect.gather [hbm4b:s3+s12], $0x40, s11, s12, $0xb8;
	[tilespmem:$0x19000] =	vst v63  }
0xc0: {  	s8 =	sadd.s32 $0x280, s0  }
0xc1: {  	[tilespmem:s18], [sflag:$0x6] =	stream.indirect.gather [hbm4b:s3+s12], $0x40, s8, s12, $0xb8;
	[tilespmem:$0x19000] =	vst v63  }
0xc2: {  	s11 =	sadd.s32 $0x300, s0  }
0xc3: {  	[tilespmem:s19], [sflag:$0x7] =	stream.indirect.gather [hbm4b:s3+s12], $0x40, s11, s12, $0xb8;
	[tilespmem:$0x19000] =	vst v63  }
0xc4: {  	s0 =	sadd.s32 $0x380, s0  }
0xc5: {  	[tilespmem:s20], [sflag:$0x8] =	stream.indirect.gather [hbm4b:s3+s12], $0x40, s0, s12, $0xb8;
	[tilespmem:$0x19000] =	vst v63  }
0xc6: {  	_ =	swait.ge [sflag:s21], $0x2000  }
0xc7: {  	s8 =	rddreg [dreg:$0x9];
	[sflag:s21] =	ssyncset.done $0x0  }
0xc8: {  	[sflag:s21] =	ssyncadd.s32 $0xFFFFE000;
	s0 =	sadd.s32 s31, s8  }
0xc9: {  	[hbm4b:s0+s1] =	stream.linear.scatter [tilespmem:s13], [sflag:$0x9], $0x2000, $0x38;
	[tilespmem:$0x19000] =	vst v63  }
0xca: {  	_ =	swait.ge [sflag:s10], $0x2000  }
0xcb: {  	[sflag:s10] =	ssyncset.done $0x0  }
0xcc: {  	[sflag:s10] =	ssyncadd.s32 $0xFFFFE000  }
0xcd: {  	_ =	swait.ge [sflag:s22], $0x2000  }
0xce: {  	s11 =	rddreg [dreg:$0x7];
	[sflag:s22] =	ssyncset.done $0x0  }
0xcf: {  	[sflag:s22] =	ssyncadd.s32 $0xFFFFE000;
	s0 =	sadd.s32 s31, s11  }
0xd0: {  	[hbm4b:s0+s1] =	stream.linear.scatter [tilespmem:s14], [sflag:$0x9], $0x2000, $0x38;
	[tilespmem:$0x19000] =	vst v63  }
0xd1: {  	_ =	swait.ge [sflag:s10], $0x2000  }
0xd2: {  	[sflag:s10] =	ssyncset.done $0x0  }
0xd3: {  	[sflag:s10] =	ssyncadd.s32 $0xFFFFE000  }
0xd4: {  	_ =	swait.ge [sflag:s23], $0x2000  }
0xd5: {  	s7 =	rddreg [dreg:$0x6];
	[sflag:s23] =	ssyncset.done $0x0  }
0xd6: {  	[sflag:s23] =	ssyncadd.s32 $0xFFFFE000;
	s0 =	sadd.s32 s31, s7  }
0xd7: {  	[hbm4b:s0+s1] =	stream.linear.scatter [tilespmem:s15], [sflag:$0x9], $0x2000, $0x38;
	[tilespmem:$0x19000] =	vst v63  }
0xd8: {  	_ =	swait.ge [sflag:s10], $0x2000  }
0xd9: {  	[sflag:s10] =	ssyncset.done $0x0  }
0xda: {  	[sflag:s10] =	ssyncadd.s32 $0xFFFFE000  }
0xdb: {  	_ =	swait.ge [sflag:s24], $0x2000  }
0xdc: {  	s8 =	rddreg [dreg:$0x5];
	[sflag:s24] =	ssyncset.done $0x0  }
0xdd: {  	[sflag:s24] =	ssyncadd.s32 $0xFFFFE000;
	s0 =	sadd.s32 s31, s8  }
0xde: {  	[hbm4b:s0+s1] =	stream.linear.scatter [tilespmem:s16], [sflag:$0x9], $0x2000, $0x38;
	[tilespmem:$0x19000] =	vst v63  }
0xdf: {  	_ =	swait.ge [sflag:s10], $0x2000  }
0xe0: {  	[sflag:s10] =	ssyncset.done $0x0  }
0xe1: {  	[sflag:s10] =	ssyncadd.s32 $0xFFFFE000  }
0xe2: {  	_ =	swait.ge [sflag:s25], $0x2000  }
0xe3: {  	s11 =	rddreg [dreg:$0x4];
	[sflag:s25] =	ssyncset.done $0x0  }
0xe4: {  	[sflag:s25] =	ssyncadd.s32 $0xFFFFE000;
	s0 =	sadd.s32 s31, s11  }
0xe5: {  	[hbm4b:s0+s1] =	stream.linear.scatter [tilespmem:s17], [sflag:$0x9], $0x2000, $0x38;
	[tilespmem:$0x19000] =	vst v63  }
0xe6: {  	_ =	swait.ge [sflag:s10], $0x2000  }
0xe7: {  	[sflag:s10] =	ssyncset.done $0x0  }
0xe8: {  	[sflag:s10] =	ssyncadd.s32 $0xFFFFE000  }
0xe9: {  	_ =	swait.ge [sflag:s26], $0x2000  }
0xea: {  	s7 =	rddreg [dreg:$0x3];
	[sflag:s26] =	ssyncset.done $0x0  }
0xeb: {  	[sflag:s26] =	ssyncadd.s32 $0xFFFFE000;
	s0 =	sadd.s32 s31, s7  }
0xec: {  	[hbm4b:s0+s1] =	stream.linear.scatter [tilespmem:s18], [sflag:$0x9], $0x2000, $0x38;
	[tilespmem:$0x19000] =	vst v63  }
0xed: {  	_ =	swait.ge [sflag:s10], $0x2000  }
0xee: {  	[sflag:s10] =	ssyncset.done $0x0  }
0xef: {  	[sflag:s10] =	ssyncadd.s32 $0xFFFFE000  }
0xf0: {  	_ =	swait.ge [sflag:s28], $0x2000  }
0xf1: {  	s8 =	rddreg [dreg:$0x2];
	[sflag:s28] =	ssyncset.done $0x0  }
0xf2: {  	[sflag:s28] =	ssyncadd.s32 $0xFFFFE000;
	s0 =	sadd.s32 s31, s8  }
0xf3: {  	[hbm4b:s0+s1] =	stream.linear.scatter [tilespmem:s19], [sflag:$0x9], $0x2000, $0x38;
	[tilespmem:$0x19000] =	vst v63  }
0xf4: {  	_ =	swait.ge [sflag:s10], $0x2000  }
0xf5: {  	[sflag:s10] =	ssyncset.done $0x0  }
0xf6: {  	[sflag:s10] =	ssyncadd.s32 $0xFFFFE000  }
0xf7: {  	_ =	swait.ge [sflag:s29], $0x2000  }
0xf8: {  	p1 =	por $0x1, $0x1;
	s11 =	rddreg [dreg:$0x8];
	[sflag:s29] =	ssyncset.done $0x0  }
.Ltmp1:
0xf9: {  	[sflag:s29] =	ssyncadd.s32 $0xFFFFE000;
	s0 =	sadd.s32 s31, s11;
	(pc) =	sbr.rel @!p1 .LBB2_6-.Ltmp1, $4  }
0xfa: {  	[hbm4b:s0+s1] =	stream.linear.scatter [tilespmem:s20], [sflag:$0x9], $0x2000, $0x38;
	[tilespmem:$0x19000] =	vst v63  }
0xfb: {  	_ =	swait.ge [sflag:s10], $0x2000  }
0xfc: {  	p0 =	por $0x0, $0x0;
	[sflag:s10] =	ssyncset.done $0x0  }
0xfd: {  	s11 =	simm.s32 $0x0;
	s31 =	smov.u32 s6;
	[sflag:s10] =	ssyncadd.s32 $0xFFFFE000  }
0xfe: {  	s0 =	simm.s32 $0x2800  }
0xff: {  	[tilespmem:s13], [sflag:$0x1] =	stream.indirect.gather [hbm4b:s4+s12], $0x40, s0, s12, $0xb8;
	[tilespmem:$0x19000] =	vst v63  }
0x100: {  	s8 =	simm.s32 $0x2880  }
0x101: {  	[tilespmem:s14], [sflag:$0x2] =	stream.indirect.gather [hbm4b:s4+s12], $0x40, s8, s12, $0xb8;
	[tilespmem:$0x19000] =	vst v63  }
0x102: {  	s11 =	simm.s32 $0x2900  }
0x103: {  	[tilespmem:s15], [sflag:$0x3] =	stream.indirect.gather [hbm4b:s4+s12], $0x40, s11, s12, $0xb8;
	[tilespmem:$0x19000] =	vst v63  }
0x104: {  	s1 =	simm.s32 $0x2980  }
0x105: {  	[tilespmem:s16], [sflag:$0x4] =	stream.indirect.gather [hbm4b:s4+s12], $0x40, s1, s12, $0xb8;
	[tilespmem:$0x19000] =	vst v63  }
0x106: {  	s7 =	simm.s32 $0x2A00  }
0x107: {  	[tilespmem:s17], [sflag:$0x5] =	stream.indirect.gather [hbm4b:s4+s12], $0x40, s7, s12, $0xb8;
	[tilespmem:$0x19000] =	vst v63  }
0x108: {  	s8 =	simm.s32 $0x2A80  }
0x109: {  	[tilespmem:s18], [sflag:$0x6] =	stream.indirect.gather [hbm4b:s4+s12], $0x40, s8, s12, $0xb8;
	[tilespmem:$0x19000] =	vst v63  }
0x10a: {  	s11 =	simm.s32 $0x2B00  }
0x10b: {  	[tilespmem:s19], [sflag:$0x7] =	stream.indirect.gather [hbm4b:s4+s12], $0x40, s11, s12, $0xb8;
	[tilespmem:$0x19000] =	vst v63  }
0x10c: {  	s1 =	simm.s32 $0x2B80  }
0x10d: {  	[tilespmem:s20], [sflag:$0x8] =	stream.indirect.gather [hbm4b:s4+s12], $0x40, s1, s12, $0xb8;
	[tilespmem:$0x19000] =	vst v63  }
0x10e: {  	_ =	swait.ge [sflag:s21], $0x2000  }
0x10f: {  	s7 =	rddreg [dreg:$0x11];
	[sflag:s21] =	ssyncset.done $0x0  }
0x110: {  	[sflag:s21] =	ssyncadd.s32 $0xFFFFE000;
	s0 =	sadd.s32 s6, s7  }
0x111: {  	[hbm4b:s0+s2] =	stream.linear.scatter [tilespmem:s13], [sflag:$0x9], $0x2000, $0x38;
	[tilespmem:$0x19000] =	vst v63  }
0x112: {  	_ =	swait.ge [sflag:s10], $0x2000  }
0x113: {  	[sflag:s10] =	ssyncset.done $0x0  }
0x114: {  	[sflag:s10] =	ssyncadd.s32 $0xFFFFE000  }
0x115: {  	_ =	swait.ge [sflag:s22], $0x2000  }
0x116: {  	s8 =	rddreg [dreg:$0xf];
	[sflag:s22] =	ssyncset.done $0x0  }
0x117: {  	[sflag:s22] =	ssyncadd.s32 $0xFFFFE000;
	s0 =	sadd.s32 s6, s8  }
0x118: {  	[hbm4b:s0+s2] =	stream.linear.scatter [tilespmem:s14], [sflag:$0x9], $0x2000, $0x38;
	[tilespmem:$0x19000] =	vst v63  }
0x119: {  	_ =	swait.ge [sflag:s10], $0x2000  }
0x11a: {  	[sflag:s10] =	ssyncset.done $0x0  }
0x11b: {  	[sflag:s10] =	ssyncadd.s32 $0xFFFFE000  }
0x11c: {  	_ =	swait.ge [sflag:s23], $0x2000  }
0x11d: {  	s11 =	rddreg [dreg:$0xe];
	[sflag:s23] =	ssyncset.done $0x0  }
0x11e: {  	[sflag:s23] =	ssyncadd.s32 $0xFFFFE000;
	s0 =	sadd.s32 s6, s11  }
0x11f: {  	[hbm4b:s0+s2] =	stream.linear.scatter [tilespmem:s15], [sflag:$0x9], $0x2000, $0x38;
	[tilespmem:$0x19000] =	vst v63  }
0x120: {  	_ =	swait.ge [sflag:s10], $0x2000  }
0x121: {  	[sflag:s10] =	ssyncset.done $0x0  }
0x122: {  	[sflag:s10] =	ssyncadd.s32 $0xFFFFE000  }
0x123: {  	_ =	swait.ge [sflag:s24], $0x2000  }
0x124: {  	s1 =	rddreg [dreg:$0xd];
	[sflag:s24] =	ssyncset.done $0x0  }
0x125: {  	[sflag:s24] =	ssyncadd.s32 $0xFFFFE000;
	s0 =	sadd.s32 s6, s1  }
0x126: {  	[hbm4b:s0+s2] =	stream.linear.scatter [tilespmem:s16], [sflag:$0x9], $0x2000, $0x38;
	[tilespmem:$0x19000] =	vst v63  }
0x127: {  	_ =	swait.ge [sflag:s10], $0x2000  }
0x128: {  	[sflag:s10] =	ssyncset.done $0x0  }
0x129: {  	[sflag:s10] =	ssyncadd.s32 $0xFFFFE000  }
0x12a: {  	_ =	swait.ge [sflag:s25], $0x2000  }
0x12b: {  	s7 =	rddreg [dreg:$0xc];
	[sflag:s25] =	ssyncset.done $0x0  }
0x12c: {  	[sflag:s25] =	ssyncadd.s32 $0xFFFFE000;
	s0 =	sadd.s32 s6, s7  }
0x12d: {  	[hbm4b:s0+s2] =	stream.linear.scatter [tilespmem:s17], [sflag:$0x9], $0x2000, $0x38;
	[tilespmem:$0x19000] =	vst v63  }
0x12e: {  	_ =	swait.ge [sflag:s10], $0x2000  }
0x12f: {  	[sflag:s10] =	ssyncset.done $0x0  }
0x130: {  	[sflag:s10] =	ssyncadd.s32 $0xFFFFE000  }
0x131: {  	_ =	swait.ge [sflag:s26], $0x2000  }
0x132: {  	s8 =	rddreg [dreg:$0xb];
	[sflag:s26] =	ssyncset.done $0x0  }
0x133: {  	[sflag:s26] =	ssyncadd.s32 $0xFFFFE000;
	s0 =	sadd.s32 s6, s8  }
0x134: {  	[hbm4b:s0+s2] =	stream.linear.scatter [tilespmem:s18], [sflag:$0x9], $0x2000, $0x38;
	[tilespmem:$0x19000] =	vst v63  }
0x135: {  	_ =	swait.ge [sflag:s10], $0x2000  }
0x136: {  	[sflag:s10] =	ssyncset.done $0x0  }
0x137: {  	[sflag:s10] =	ssyncadd.s32 $0xFFFFE000  }
0x138: {  	_ =	swait.ge [sflag:s28], $0x2000  }
0x139: {  	s11 =	rddreg [dreg:$0xa];
	[sflag:s28] =	ssyncset.done $0x0  }
0x13a: {  	[sflag:s28] =	ssyncadd.s32 $0xFFFFE000;
	s0 =	sadd.s32 s6, s11  }
0x13b: {  	[hbm4b:s0+s2] =	stream.linear.scatter [tilespmem:s19], [sflag:$0x9], $0x2000, $0x38;
	[tilespmem:$0x19000] =	vst v63  }
0x13c: {  	_ =	swait.ge [sflag:s10], $0x2000  }
0x13d: {  	[sflag:s10] =	ssyncset.done $0x0  }
0x13e: {  	[sflag:s10] =	ssyncadd.s32 $0xFFFFE000  }
0x13f: {  	p1 =	por $0x1, $0x1;
	_ =	swait.ge [sflag:s29], $0x2000  }
.Ltmp2:
0x140: {  	s1 =	rddreg [dreg:$0x10];
	[sflag:s29] =	ssyncset.done $0x0;
	(pc) =	sbr.rel @!p1 .LBB2_6-.Ltmp2, $4  }
0x141: {  	[sflag:s29] =	ssyncadd.s32 $0xFFFFE000;
	s1 =	sadd.s32 s6, s1  }
0x142: {  	[hbm4b:s1+s2] =	stream.linear.scatter [tilespmem:s20], [sflag:$0x9], $0x2000, $0x38;
	[tilespmem:$0x19000] =	vst v63  }
0x143: {  	s31 =	sadd.s32 $0x2000, s6;
	p0 =	por $0x1, $0x1;
	_ =	swait.ge [sflag:s10], $0x2000  }
0x144: {  	s11 =	simm.s32 $0x400;
	s0 =	simm.s32 $0x2000;
	[sflag:s10] =	ssyncset.done $0x0  }
.LBB2_5:
0x145: {  	s8 =	sadd.s32 $0x2800, s11;
	[sflag:s10] =	ssyncadd.s32 $0xFFFFE000  }
0x146: {  	[tilespmem:s13], [sflag:$0x1] =	stream.indirect.gather [hbm4b:s4+s12], $0x40, s8, s12, $0xb8;
	[tilespmem:$0x19000] =	vst v63  }
0x147: {  	s8 =	sadd.s32 $0x2880, s11  }
0x148: {  	[tilespmem:s14], [sflag:$0x2] =	stream.indirect.gather [hbm4b:s4+s12], $0x40, s8, s12, $0xb8;
	[tilespmem:$0x19000] =	vst v63  }
0x149: {  	s8 =	sadd.s32 $0x2900, s11  }
0x14a: {  	[tilespmem:s15], [sflag:$0x3] =	stream.indirect.gather [hbm4b:s4+s12], $0x40, s8, s12, $0xb8;
	[tilespmem:$0x19000] =	vst v63  }
0x14b: {  	s8 =	sadd.s32 $0x2980, s11  }
0x14c: {  	[tilespmem:s16], [sflag:$0x4] =	stream.indirect.gather [hbm4b:s4+s12], $0x40, s8, s12, $0xb8;
	[tilespmem:$0x19000] =	vst v63  }
0x14d: {  	s8 =	sadd.s32 $0x2A00, s11  }
0x14e: {  	[tilespmem:s17], [sflag:$0x5] =	stream.indirect.gather [hbm4b:s4+s12], $0x40, s8, s12, $0xb8;
	[tilespmem:$0x19000] =	vst v63  }
0x14f: {  	s8 =	sadd.s32 $0x2A80, s11  }
0x150: {  	[tilespmem:s18], [sflag:$0x6] =	stream.indirect.gather [hbm4b:s4+s12], $0x40, s8, s12, $0xb8;
	[tilespmem:$0x19000] =	vst v63  }
0x151: {  	s8 =	sadd.s32 $0x2B00, s11  }
0x152: {  	[tilespmem:s19], [sflag:$0x7] =	stream.indirect.gather [hbm4b:s4+s12], $0x40, s8, s12, $0xb8;
	[tilespmem:$0x19000] =	vst v63  }
0x153: {  	s11 =	sadd.s32 $0x2B80, s11  }
0x154: {  	[tilespmem:s20], [sflag:$0x8] =	stream.indirect.gather [hbm4b:s4+s12], $0x40, s11, s12, $0xb8;
	[tilespmem:$0x19000] =	vst v63  }
0x155: {  	s1 =	smov.u32 s0;
	_ =	swait.ge [sflag:s21], $0x2000  }
0x156: {  	s7 =	sadd.s32 $0x1000, s0;
	s8 =	rddreg [dreg:$0x11];
	[sflag:s21] =	ssyncset.done $0x0  }
0x157: {  	p1 =	sne.s32 s0, $0x19000;
	[sflag:s21] =	ssyncadd.s32 $0xFFFFE000;
	s0 =	sadd.s32 s31, s8  }
0x158: {  	[hbm4b:s0+s2] =	stream.linear.scatter [tilespmem:s13], [sflag:$0x9], $0x2000, $0x38;
	[tilespmem:$0x19000] =	vst v63  }
0x159: {  	_ =	swait.ge [sflag:s10], $0x2000  }
0x15a: {  	[sflag:s10] =	ssyncset.done $0x0  }
0x15b: {  	[sflag:s10] =	ssyncadd.s32 $0xFFFFE000  }
0x15c: {  	_ =	swait.ge [sflag:s22], $0x2000  }
0x15d: {  	s11 =	rddreg [dreg:$0xf];
	[sflag:s22] =	ssyncset.done $0x0  }
0x15e: {  	[sflag:s22] =	ssyncadd.s32 $0xFFFFE000;
	s0 =	sadd.s32 s31, s11  }
0x15f: {  	[hbm4b:s0+s2] =	stream.linear.scatter [tilespmem:s14], [sflag:$0x9], $0x2000, $0x38;
	[tilespmem:$0x19000] =	vst v63  }
0x160: {  	_ =	swait.ge [sflag:s10], $0x2000  }
0x161: {  	[sflag:s10] =	ssyncset.done $0x0  }
0x162: {  	[sflag:s10] =	ssyncadd.s32 $0xFFFFE000  }
0x163: {  	_ =	swait.ge [sflag:s23], $0x2000  }
0x164: {  	s8 =	rddreg [dreg:$0xe];
	[sflag:s23] =	ssyncset.done $0x0  }
0x165: {  	[sflag:s23] =	ssyncadd.s32 $0xFFFFE000;
	s0 =	sadd.s32 s31, s8  }
0x166: {  	[hbm4b:s0+s2] =	stream.linear.scatter [tilespmem:s15], [sflag:$0x9], $0x2000, $0x38;
	[tilespmem:$0x19000] =	vst v63  }
0x167: {  	_ =	swait.ge [sflag:s10], $0x2000  }
0x168: {  	[sflag:s10] =	ssyncset.done $0x0  }
0x169: {  	[sflag:s10] =	ssyncadd.s32 $0xFFFFE000  }
0x16a: {  	_ =	swait.ge [sflag:s24], $0x2000  }
0x16b: {  	s11 =	rddreg [dreg:$0xd];
	[sflag:s24] =	ssyncset.done $0x0  }
0x16c: {  	[sflag:s24] =	ssyncadd.s32 $0xFFFFE000;
	s0 =	sadd.s32 s31, s11  }
0x16d: {  	[hbm4b:s0+s2] =	stream.linear.scatter [tilespmem:s16], [sflag:$0x9], $0x2000, $0x38;
	[tilespmem:$0x19000] =	vst v63  }
0x16e: {  	_ =	swait.ge [sflag:s10], $0x2000  }
0x16f: {  	[sflag:s10] =	ssyncset.done $0x0  }
0x170: {  	[sflag:s10] =	ssyncadd.s32 $0xFFFFE000  }
0x171: {  	_ =	swait.ge [sflag:s25], $0x2000  }
0x172: {  	s8 =	rddreg [dreg:$0xc];
	[sflag:s25] =	ssyncset.done $0x0  }
0x173: {  	[sflag:s25] =	ssyncadd.s32 $0xFFFFE000;
	s0 =	sadd.s32 s31, s8  }
0x174: {  	[hbm4b:s0+s2] =	stream.linear.scatter [tilespmem:s17], [sflag:$0x9], $0x2000, $0x38;
	[tilespmem:$0x19000] =	vst v63  }
0x175: {  	_ =	swait.ge [sflag:s10], $0x2000  }
0x176: {  	[sflag:s10] =	ssyncset.done $0x0  }
0x177: {  	[sflag:s10] =	ssyncadd.s32 $0xFFFFE000  }
0x178: {  	_ =	swait.ge [sflag:s26], $0x2000  }
0x179: {  	s11 =	rddreg [dreg:$0xb];
	[sflag:s26] =	ssyncset.done $0x0  }
0x17a: {  	[sflag:s26] =	ssyncadd.s32 $0xFFFFE000;
	s0 =	sadd.s32 s31, s11  }
0x17b: {  	[hbm4b:s0+s2] =	stream.linear.scatter [tilespmem:s18], [sflag:$0x9], $0x2000, $0x38;
	[tilespmem:$0x19000] =	vst v63  }
0x17c: {  	_ =	swait.ge [sflag:s10], $0x2000  }
0x17d: {  	[sflag:s10] =	ssyncset.done $0x0  }
0x17e: {  	[sflag:s10] =	ssyncadd.s32 $0xFFFFE000  }
0x17f: {  	_ =	swait.ge [sflag:s28], $0x2000  }
0x180: {  	s8 =	rddreg [dreg:$0xa];
	[sflag:s28] =	ssyncset.done $0x0  }
0x181: {  	[sflag:s28] =	ssyncadd.s32 $0xFFFFE000;
	s0 =	sadd.s32 s31, s8  }
0x182: {  	[hbm4b:s0+s2] =	stream.linear.scatter [tilespmem:s19], [sflag:$0x9], $0x2000, $0x38;
	[tilespmem:$0x19000] =	vst v63  }
0x183: {  	_ =	swait.ge [sflag:s10], $0x2000  }
0x184: {  	[sflag:s10] =	ssyncset.done $0x0  }
0x185: {  	[sflag:s10] =	ssyncadd.s32 $0xFFFFE000  }
0x186: {  	_ =	swait.ge [sflag:s29], $0x2000  }
.Ltmp3:
0x187: {  	s11 =	rddreg [dreg:$0x10];
	[sflag:s29] =	ssyncset.done $0x0;
	(pc) =	sbr.rel @p1 .LBB2_5-.Ltmp3, $4  }
0x188: {  	[sflag:s29] =	ssyncadd.s32 $0xFFFFE000;
	s0 =	sadd.s32 s31, s11  }
0x189: {  	[hbm4b:s0+s2] =	stream.linear.scatter [tilespmem:s20], [sflag:$0x9], $0x2000, $0x38;
	[tilespmem:$0x19000] =	vst v63  }
0x18a: {  	s11 =	sshra.s32 s1, $0x2;
	_ =	swait.ge [sflag:s10], $0x2000  }
0x18b: {  	s31 =	sadd.s32 $0x2000, s31;
	s0 =	smov.u32 s7;
	[sflag:s10] =	ssyncset.done $0x0  }
.LBB2_6:
0x18c: {  	s0 =	sadd.s32 $0x2800, s11;
	[sflag:s10] =	ssyncadd.s32 @p0 $0xFFFFE000  }
0x18d: {  	[tilespmem:s13], [sflag:$0x1] =	stream.indirect.gather [hbm4b:s4+s12], $0x40, s0, s12, $0xb8;
	[tilespmem:$0x19000] =	vst v63  }
0x18e: {  	s1 =	sadd.s32 $0x2880, s11  }
0x18f: {  	[tilespmem:s14], [sflag:$0x2] =	stream.indirect.gather [hbm4b:s4+s12], $0x40, s1, s12, $0xb8;
	[tilespmem:$0x19000] =	vst v63  }
0x190: {  	s7 =	sadd.s32 $0x2900, s11  }
0x191: {  	[tilespmem:s15], [sflag:$0x3] =	stream.indirect.gather [hbm4b:s4+s12], $0x40, s7, s12, $0xb8;
	[tilespmem:$0x19000] =	vst v63  }
0x192: {  	s8 =	sadd.s32 $0x2980, s11  }
0x193: {  	[tilespmem:s16], [sflag:$0x4] =	stream.indirect.gather [hbm4b:s4+s12], $0x40, s8, s12, $0xb8;
	[tilespmem:$0x19000] =	vst v63  }
0x194: {  	s1 =	sadd.s32 $0x2A00, s11  }
0x195: {  	[tilespmem:s17], [sflag:$0x5] =	stream.indirect.gather [hbm4b:s4+s12], $0x40, s1, s12, $0xb8;
	[tilespmem:$0x19000] =	vst v63  }
0x196: {  	s7 =	sadd.s32 $0x2A80, s11  }
0x197: {  	[tilespmem:s18], [sflag:$0x6] =	stream.indirect.gather [hbm4b:s4+s12], $0x40, s7, s12, $0xb8;
	[tilespmem:$0x19000] =	vst v63  }
0x198: {  	s8 =	sadd.s32 $0x2B00, s11  }
0x199: {  	[tilespmem:s19], [sflag:$0x7] =	stream.indirect.gather [hbm4b:s4+s12], $0x40, s8, s12, $0xb8;
	[tilespmem:$0x19000] =	vst v63  }
0x19a: {  	s11 =	sadd.s32 $0x2B80, s11  }
0x19b: {  	[tilespmem:s20], [sflag:$0x8] =	stream.indirect.gather [hbm4b:s4+s12], $0x40, s11, s12, $0xb8;
	[tilespmem:$0x19000] =	vst v63  }
0x19c: {  	_ =	swait.ge [sflag:s21], $0x2000  }
0x19d: {  	s1 =	rddreg [dreg:$0x11];
	[sflag:s21] =	ssyncset.done $0x0  }
0x19e: {  	[sflag:s21] =	ssyncadd.s32 $0xFFFFE000;
	s0 =	sadd.s32 s31, s1  }
0x19f: {  	[hbm4b:s0+s2] =	stream.linear.scatter [tilespmem:s13], [sflag:$0x9], $0x2000, $0x38;
	[tilespmem:$0x19000] =	vst v63  }
0x1a0: {  	_ =	swait.ge [sflag:s10], $0x2000  }
0x1a1: {  	[sflag:s10] =	ssyncset.done $0x0  }
0x1a2: {  	[sflag:s10] =	ssyncadd.s32 $0xFFFFE000  }
0x1a3: {  	_ =	swait.ge [sflag:s22], $0x2000  }
0x1a4: {  	s7 =	rddreg [dreg:$0xf];
	[sflag:s22] =	ssyncset.done $0x0  }
0x1a5: {  	[sflag:s22] =	ssyncadd.s32 $0xFFFFE000;
	s0 =	sadd.s32 s31, s7  }
0x1a6: {  	[hbm4b:s0+s2] =	stream.linear.scatter [tilespmem:s14], [sflag:$0x9], $0x2000, $0x38;
	[tilespmem:$0x19000] =	vst v63  }
0x1a7: {  	_ =	swait.ge [sflag:s10], $0x2000  }
0x1a8: {  	[sflag:s10] =	ssyncset.done $0x0  }
0x1a9: {  	[sflag:s10] =	ssyncadd.s32 $0xFFFFE000  }
0x1aa: {  	_ =	swait.ge [sflag:s23], $0x2000  }
0x1ab: {  	s8 =	rddreg [dreg:$0xe];
	[sflag:s23] =	ssyncset.done $0x0  }
0x1ac: {  	[sflag:s23] =	ssyncadd.s32 $0xFFFFE000;
	s0 =	sadd.s32 s31, s8  }
0x1ad: {  	[hbm4b:s0+s2] =	stream.linear.scatter [tilespmem:s15], [sflag:$0x9], $0x2000, $0x38;
	[tilespmem:$0x19000] =	vst v63  }
0x1ae: {  	_ =	swait.ge [sflag:s10], $0x2000  }
0x1af: {  	[sflag:s10] =	ssyncset.done $0x0  }
0x1b0: {  	[sflag:s10] =	ssyncadd.s32 $0xFFFFE000  }
0x1b1: {  	_ =	swait.ge [sflag:s24], $0x2000  }
0x1b2: {  	s11 =	rddreg [dreg:$0xd];
	[sflag:s24] =	ssyncset.done $0x0  }
0x1b3: {  	[sflag:s24] =	ssyncadd.s32 $0xFFFFE000;
	s0 =	sadd.s32 s31, s11  }
0x1b4: {  	[hbm4b:s0+s2] =	stream.linear.scatter [tilespmem:s16], [sflag:$0x9], $0x2000, $0x38;
	[tilespmem:$0x19000] =	vst v63  }
0x1b5: {  	_ =	swait.ge [sflag:s10], $0x2000  }
0x1b6: {  	[sflag:s10] =	ssyncset.done $0x0  }
0x1b7: {  	[sflag:s10] =	ssyncadd.s32 $0xFFFFE000  }
0x1b8: {  	_ =	swait.ge [sflag:s25], $0x2000  }
0x1b9: {  	s1 =	rddreg [dreg:$0xc];
	[sflag:s25] =	ssyncset.done $0x0  }
0x1ba: {  	[sflag:s25] =	ssyncadd.s32 $0xFFFFE000;
	s0 =	sadd.s32 s31, s1  }
0x1bb: {  	[hbm4b:s0+s2] =	stream.linear.scatter [tilespmem:s17], [sflag:$0x9], $0x2000, $0x38;
	[tilespmem:$0x19000] =	vst v63  }
0x1bc: {  	_ =	swait.ge [sflag:s10], $0x2000  }
0x1bd: {  	[sflag:s10] =	ssyncset.done $0x0  }
0x1be: {  	[sflag:s10] =	ssyncadd.s32 $0xFFFFE000  }
0x1bf: {  	_ =	swait.ge [sflag:s26], $0x2000  }
0x1c0: {  	s7 =	rddreg [dreg:$0xb];
	[sflag:s26] =	ssyncset.done $0x0  }
0x1c1: {  	[sflag:s26] =	ssyncadd.s32 $0xFFFFE000;
	s0 =	sadd.s32 s31, s7  }
0x1c2: {  	[hbm4b:s0+s2] =	stream.linear.scatter [tilespmem:s18], [sflag:$0x9], $0x2000, $0x38;
	[tilespmem:$0x19000] =	vst v63  }
0x1c3: {  	_ =	swait.ge [sflag:s10], $0x2000  }
0x1c4: {  	[sflag:s10] =	ssyncset.done $0x0  }
0x1c5: {  	[sflag:s10] =	ssyncadd.s32 $0xFFFFE000  }
0x1c6: {  	_ =	swait.ge [sflag:s28], $0x2000  }
0x1c7: {  	s8 =	rddreg [dreg:$0xa];
	[sflag:s28] =	ssyncset.done $0x0  }
0x1c8: {  	[sflag:s28] =	ssyncadd.s32 $0xFFFFE000;
	s0 =	sadd.s32 s31, s8  }
0x1c9: {  	[hbm4b:s0+s2] =	stream.linear.scatter [tilespmem:s19], [sflag:$0x9], $0x2000, $0x38;
	[tilespmem:$0x19000] =	vst v63  }
0x1ca: {  	_ =	swait.ge [sflag:s10], $0x2000  }
0x1cb: {  	[sflag:s10] =	ssyncset.done $0x0  }
0x1cc: {  	[sflag:s10] =	ssyncadd.s32 $0xFFFFE000  }
0x1cd: {  	s30 =	sadd.s32 $0x1, s30;
	_ =	swait.ge [sflag:s29], $0x2000  }
0x1ce: {  	p0 =	sne.s32 s30, s9;
	s11 =	rddreg [dreg:$0x10];
	[sflag:s29] =	ssyncset.done $0x0  }
.Ltmp4:
0x1cf: {  	[sflag:s29] =	ssyncadd.s32 $0xFFFFE000;
	s0 =	sadd.s32 s31, s11;
	(pc) =	sbr.rel @p0 .LBB2_1-.Ltmp4, $4  }
0x1d0: {  	[hbm4b:s0+s2] =	stream.linear.scatter [tilespmem:s20], [sflag:$0x9], $0x2000, $0x38;
	[tilespmem:$0x19000] =	vst v63  }
0x1d1: {  	_ =	swait.ge [sflag:s10], $0x2000  }
0x1d2: {  	[sflag:s10] =	ssyncset.done $0x0  }
0x1d3: {  	[sflag:s10] =	ssyncadd.s32 $0xFFFFE000  }
0x1d4: {  	_ =	sfence.sel $0x180000  }
0x1d5: {  	[bflag:$0x0] =	sbarrier.arrive $0xFFFF  }
0x1d6: {  	_ =	strace $0x90000047  }
0x1d7: {  	s0 =	stileid.u32;
	[bflag:$0x2] =	sbarrier.arrive $0xFFFF  }
0x1d8: {  	p0 =	sne.s32 s0, $0x0;
	s0 =	rddreg [dreg:$0x1]  }
0x1d9: {  	s0 =	sadd.s32 @!p0 $0x100000, s0  }
0x1da: {  	[sflag:s0] =	ssyncadd.tile.s32 @!p0 $0x1;
	_ =	shalt  }
.Lfunc_end2:
_tile_overlayer_lowered:
.L_overlay_start_2:
0x1db: {  	(tag) =	ssettag $0x2  }
0x1dc: {  	s0 =	rddreg [dreg:$0x0];
	s2 =	stileid.u32  }
0x1dd: {  	s1 =	rddreg [dreg:$0x1];
	p0 =	sne.s32 s2, $0x0  }
0x1de: {  	s3 =	rddreg [dreg:$0x2];
	[bflag:$0x3] =	sbarrier.arrive $0xFFFF;
	s2 =	simm.s32 @!p0 $0x1C09  }
0x1df: {  	[timem:s3], [sflag:s2] =	dma.local @!p0 [hbm:s0], s1  }
0x1e0: {  	s0 =	simm.s32 @!p0 $0x9  }
0x1e1: {  	_ =	swait.ge @!p0 [sflag:s0], s1  }
0x1e2: {  	s1 =	ssub.s32 @!p0 $0x0, s1;
	[sflag:s0] =	ssyncset.done @!p0 $0x0  }
0x1e3: {  	[sflag:s0] =	ssyncadd.s32 @!p0 s1  }
0x1e4: {  	[bflag:$0x3] =	sbarrier.arrive $0xFFFF  }
0x1e5: {  	_ =	shalt  }

</sc_bundles>
